<compile_context>
chip_gen: v7x
topology: tpu7x:2x2x1
jax: 0.10.2.dev20260603
libtpu: 0.0.44.dev20260713+nightly
codegen_flags: <defaults>
</compile_context>

<pallas_src>
import functools

import numpy as np

import jax
import jax.numpy as jnp
from jax import lax
from jax.experimental import pallas as pl
from jax.experimental.pallas import tpu as pltpu
from jax.experimental.pallas import tpu_sc as plsc

NC = 2
NS = 16
LANES = 16
CHUNK = 128
NIDX = 4


def _sc_mesh():
    return plsc.VectorSubcoreMesh(core_axis_name="c", subcore_axis_name="s")


def _sc_degree(edges, n_pad, rows_per_tile, n_chunks):
    nw = NC * NS

    @functools.partial(
        pl.kernel,
        out_type=jax.ShapeDtypeStruct((NC, n_pad), jnp.float32),
        mesh=_sc_mesh(),
        scratch_types=[
            pltpu.VMEM((n_chunks, CHUNK), jnp.int32),
            pltpu.VMEM((CHUNK,), jnp.float32),
            pltpu.VMEM((rows_per_tile,), jnp.float32),
            pltpu.VMEM_SHARED((n_pad,), jnp.float32),
            pltpu.SemaphoreType.DMA,
            pltpu.SemaphoreType.DMA,
        ],
    )
    def k(edges_hbm, out_hbm, idx_all, ones_v, zeros_v, deg_shared, psem, sem):
        c = lax.axis_index("c")
        s = lax.axis_index("s")
        w = c * NS + s
        row0 = pl.multiple_of(s * rows_per_tile, CHUNK)

        @pl.loop(0, n_chunks)
        def _pfire(i):
            col = pl.multiple_of((i * nw + w) * CHUNK, CHUNK)
            pltpu.async_copy(edges_hbm.at[1, pl.ds(col, CHUNK)], idx_all.at[i], psem)

        @pl.loop(0, rows_per_tile // LANES)
        def _zero(i):
            zeros_v[pl.ds(i * LANES, LANES)] = jnp.zeros((LANES,), jnp.float32)

        pltpu.sync_copy(zeros_v, deg_shared.at[pl.ds(row0, rows_per_tile)])
        for j in range(CHUNK // LANES):
            ones_v[pl.ds(j * LANES, LANES)] = jnp.ones((LANES,), jnp.float32)

        @pl.loop(0, n_chunks)
        def _pdrain(i):
            col = pl.multiple_of((i * nw + w) * CHUNK, CHUNK)
            pltpu.make_async_copy(
                edges_hbm.at[1, pl.ds(col, CHUNK)], idx_all.at[i], psem
            ).wait()

        plsc.subcore_barrier()

        @pl.loop(0, n_chunks)
        def _fire(i):
            pltpu.async_copy(ones_v, deg_shared.at[idx_all.at[i]], sem, add=True)

        @pl.loop(0, n_chunks)
        def _drain(i):
            pltpu.make_async_copy(ones_v, deg_shared.at[idx_all.at[i]], sem).wait()

        plsc.subcore_barrier()
        pltpu.sync_copy(
            deg_shared.at[pl.ds(row0, rows_per_tile)],
            out_hbm.at[c, pl.ds(row0, rows_per_tile)],
        )

    return k(edges)


def _sc_aggregate(g, edges, n_pad, rows_per_tile, n_chunks):
    n, d = g.shape
    nw = NC * NS
    drain_chunks = rows_per_tile // CHUNK

    @functools.partial(
        pl.kernel,
        out_type=jax.ShapeDtypeStruct((NC, n_pad, d), jnp.float32),
        mesh=_sc_mesh(),
        scratch_types=[
            pltpu.VMEM((NIDX, 2, CHUNK), jnp.int32),
            pltpu.VMEM((2, CHUNK, d), jnp.float32),
            pltpu.VMEM_SHARED((n_pad, d), jnp.float32),
        ]
        + [pltpu.SemaphoreType.DMA] * (NIDX + 4),
    )
    def k(g_hbm, edges_hbm, out_hbm, sd, rows, acc_shared, *sems):
        isem = sems[:NIDX]
        gsem = sems[NIDX:NIDX + 2]
        ssem = sems[NIDX + 2:]
        c = lax.axis_index("c")
        s = lax.axis_index("s")
        w = c * NS + s
        row0 = pl.multiple_of(s * rows_per_tile, CHUNK)

        def i_start(i, q):
            col = pl.multiple_of((i * nw + w) * CHUNK, CHUNK)
            pltpu.async_copy(edges_hbm.at[0, pl.ds(col, CHUNK)], sd.at[q, 0], isem[q])
            pltpu.async_copy(edges_hbm.at[1, pl.ds(col, CHUNK)], sd.at[q, 1], isem[q])

        def i_wait(i, q):
            col = pl.multiple_of((i * nw + w) * CHUNK, CHUNK)
            pltpu.make_async_copy(
                edges_hbm.at[0, pl.ds(col, CHUNK)], sd.at[q, 0], isem[q]
            ).wait()
            pltpu.make_async_copy(
                edges_hbm.at[1, pl.ds(col, CHUNK)], sd.at[q, 1], isem[q]
            ).wait()

        def g_start(q, b):
            pltpu.async_copy(g_hbm.at[sd.at[q, 0]], rows.at[b], gsem[b])

        def g_wait(q, b):
            pltpu.make_async_copy(g_hbm.at[sd.at[q, 0]], rows.at[b], gsem[b]).wait()

        def s_start(q, b):
            pltpu.async_copy(rows.at[b], acc_shared.at[sd.at[q, 1]], ssem[b], add=True)

        def s_wait(q, b):
            pltpu.make_async_copy(rows.at[b], acc_shared.at[sd.at[q, 1]], ssem[b]).wait()

        @pl.loop(0, CHUNK)
        def _zrows(i):
            for j in range(d // LANES):
                rows[0, i, pl.ds(j * LANES, LANES)] = jnp.zeros((LANES,), jnp.float32)

        @pl.loop(0, drain_chunks)
        def _zacc(kk):
            r = pl.multiple_of(row0 + kk * CHUNK, CHUNK)
            pltpu.sync_copy(rows.at[0], acc_shared.at[pl.ds(r, CHUNK)])

        plsc.subcore_barrier()

        for q in range(2):
            i_start(q, q)
        for q in range(2):
            i_wait(q, q)
            g_start(q, q)

        @pl.loop(0, n_chunks // 4)
        def _pipe(t):
            for kk in range(4):
                i = t * 4 + kk
                q = kk
                qn = (kk + 2) % 4
                bslot = kk % 2

                @pl.when(i + 2 < n_chunks)
                def _pre():
                    i_start(i + 2, qn)

                g_wait(q, bslot)
                s_start(q, bslot)

                @pl.when(i + 2 < n_chunks)
                def _nxt():
                    s_wait(q, bslot)
                    i_wait(i + 2, qn)
                    g_start(qn, bslot)

        s_wait(2, 0)
        s_wait(3, 1)

        plsc.subcore_barrier()

        @pl.loop(0, drain_chunks)
        def _drain(kk):
            r = pl.multiple_of(row0 + kk * CHUNK, CHUNK)
            pltpu.sync_copy(
                acc_shared.at[pl.ds(r, CHUNK)], out_hbm.at[c, pl.ds(r, CHUNK)]
            )

    return k(g, edges)


def _tc_matmul(x, w):
    n, d_in = x.shape
    d_out = w.shape[1]
    blk = 2000

    def body(x_ref, w_ref, h_ref):
        h_ref[...] = jnp.dot(x_ref[...], w_ref[...],
                             preferred_element_type=jnp.float32)

    return pl.pallas_call(
        body,
        grid=(n // blk,),
        in_specs=[
            pl.BlockSpec((blk, d_in), lambda i: (i, 0)),
            pl.BlockSpec((d_in, d_out), lambda i: (0, 0)),
        ],
        out_specs=pl.BlockSpec((blk, d_out), lambda i: (i, 0)),
        out_shape=jax.ShapeDtypeStruct((n, d_out), jnp.float32),
    )(x, w)


def _tc_scale(h, degsum):
    n, d = h.shape

    def body(h_ref, deg_ref, g_ref, dis_ref):
        dis = lax.rsqrt(deg_ref[...])
        g_ref[...] = h_ref[...] * dis
        dis_ref[...] = dis

    return pl.pallas_call(
        body,
        grid=(1,),
        in_specs=[
            pl.BlockSpec((n, d), lambda i: (0, 0)),
            pl.BlockSpec((n, 1), lambda i: (0, 0)),
        ],
        out_specs=[
            pl.BlockSpec((n, d), lambda i: (0, 0)),
            pl.BlockSpec((n, 1), lambda i: (0, 0)),
        ],
        out_shape=[
            jax.ShapeDtypeStruct((n, d), jnp.float32),
            jax.ShapeDtypeStruct((n, 1), jnp.float32),
        ],
    )(h, degsum)


def _tc_combine(acc, g, dis, b2, n):
    d = g.shape[1]
    blk = 2000

    def body(acc_ref, g_ref, dis_ref, b_ref, out_ref):
        total = acc_ref[0] + acc_ref[1] + g_ref[...]
        out_ref[...] = dis_ref[...] * total + b_ref[...]

    return pl.pallas_call(
        body,
        grid=(n // blk,),
        in_specs=[
            pl.BlockSpec((2, blk, d), lambda i: (0, i, 0)),
            pl.BlockSpec((blk, d), lambda i: (i, 0)),
            pl.BlockSpec((blk, 1), lambda i: (i, 0)),
            pl.BlockSpec((1, d), lambda i: (0, 0)),
        ],
        out_specs=pl.BlockSpec((blk, d), lambda i: (i, 0)),
        out_shape=jax.ShapeDtypeStruct((n, d), jnp.float32),
    )(acc, g, dis, b2)


def kernel(x, edge_index, W, b):
    n, d_in = x.shape
    d_out = W.shape[1]
    e = edge_index.shape[1]
    nw = NC * NS

    rows_per_tile = pl.cdiv(n + 1, NS * CHUNK) * CHUNK
    n_pad = NS * rows_per_tile

    e_tile = pl.cdiv(e, nw * 2 * NIDX * CHUNK) * 2 * NIDX * CHUNK
    n_chunks = e_tile // CHUNK
    pad = nw * e_tile - e
    jpad = np.arange(pad)
    zpad = np.stack([jpad % n, n + jpad % (n_pad - n)]).astype(np.int32)
    edges = jnp.concatenate([edge_index, jnp.asarray(zpad)], axis=1)

    h = _tc_matmul(x, W)
    degs = _sc_degree(edges, n_pad, rows_per_tile, n_chunks)
    degsum = (degs[0] + degs[1] + 1.0).reshape(n_pad, 1)
    g, dis = _tc_scale(h, degsum)

    acc = _sc_aggregate(g, edges, n_pad, rows_per_tile, n_chunks)
    out = _tc_combine(acc, g, dis, b.reshape(1, d_out), n)
    return out

# --- scband reference (transcript-rebuilt; emitter-appended) ---
"""Pipeline reference for scband-simple-gcnlayer-66271345377741 (READ-ONLY COPY).

The authoritative reference and input builder live on the scoring server;
editing this copy changes nothing except your own understanding.
"""

import jax, jax.numpy as jnp
import numpy as np

N = 10000
E = 320000
D_IN = 128
D_OUT = 128


def setup_inputs(seed: int = 0) -> dict:
    key = jax.random.key(seed)
    k1, k2, k3 = jax.random.split(key, 3)
    x = jax.random.normal(k1, (N, D_IN), dtype=jnp.float32)
    edge_index = jax.random.randint(k2, (2, E), 0, N, dtype=jnp.int32)
    # GCNConv learned params: weight (glorot) and bias (zeros)
    limit = float(np.sqrt(6.0 / (D_IN + D_OUT)))
    W = jax.random.uniform(k3, (D_IN, D_OUT), dtype=jnp.float32, minval=-limit, maxval=limit)
    b = jnp.zeros((D_OUT,), dtype=jnp.float32)
    return {"x": x, "edge_index": edge_index, "W": W, "b": b}


def reference(x, edge_index, W, b):
    # Faithful GCNConv (PyG semantics): linear transform, add self-loops,
    # symmetric normalization D^{-1/2} (A+I) D^{-1/2}, scatter-add aggregate, add bias.
    n = x.shape[0]
    src = edge_index[0]
    dst = edge_index[1]
    loop = jnp.arange(n, dtype=src.dtype)
    src = jnp.concatenate([src, loop], axis=0)
    dst = jnp.concatenate([dst, loop], axis=0)

    h = x @ W  # linear first, as in GCNConv

    ones = jnp.ones(src.shape[0], dtype=h.dtype)
    deg = jnp.zeros((n,), dtype=h.dtype).at[dst].add(ones)
    deg_inv_sqrt = jnp.where(deg > 0, jax.lax.rsqrt(jnp.maximum(deg, 1e-12)), 0.0)
    norm = deg_inv_sqrt[src] * deg_inv_sqrt[dst]

    msgs = jnp.take(h, src, axis=0) * norm[:, None]  # gather + scale
    out = jnp.zeros((n, h.shape[1]), dtype=h.dtype).at[dst].add(msgs)  # scatter-add
    return out + b

if __name__ == "__main__":
    import jax
    _d = setup_inputs()
    print(jax.jit(kernel)(*tuple(_d.values())))

</pallas_src>

<mosaic_0001>
#map = affine_map<(d0, d1) -> (0, 0)>
#map1 = affine_map<(d0, d1) -> (0, 0, 0)>
module attributes {stable_mosaic.version = 14 : i64} {
  func.func @k(%arg0: i32, %arg1: i32, %arg2: memref<10000x128xf32, #tpu.memory_space<hbm>>, %arg3: memref<2x327680xi32, #tpu.memory_space<hbm>>, %arg4: memref<2x10240x128xf32, #tpu.memory_space<hbm>>, %arg5: memref<4x2x128xi32, #tpu.memory_space<vmem>>, %arg6: memref<2x128x128xf32, #tpu.memory_space<vmem>>, %arg7: memref<10240x128xf32, #tpu.memory_space<vmem_shared>>, %arg8: memref<!tpu.dma_semaphore, #tpu.memory_space<semaphore_mem>>, %arg9: memref<!tpu.dma_semaphore, #tpu.memory_space<semaphore_mem>>, %arg10: memref<!tpu.dma_semaphore, #tpu.memory_space<semaphore_mem>>, %arg11: memref<!tpu.dma_semaphore, #tpu.memory_space<semaphore_mem>>, %arg12: memref<!tpu.dma_semaphore, #tpu.memory_space<semaphore_mem>>, %arg13: memref<!tpu.dma_semaphore, #tpu.memory_space<semaphore_mem>>, %arg14: memref<!tpu.dma_semaphore, #tpu.memory_space<semaphore_mem>>, %arg15: memref<!tpu.dma_semaphore, #tpu.memory_space<semaphore_mem>>) attributes {dimension_semantics = [#tpu.dimension_semantics<core_parallel>, #tpu.dimension_semantics<subcore_parallel>], iteration_bounds = array<i64: 2, 16>, scalar_prefetch = 0 : i64, scratch_operands = 11 : i64, tpu.core_type = #tpu.core_type<sc_vector_subcore>, window_params = [{transform_indices = #map}, {transform_indices = #map}, {transform_indices = #map1}]} {
    %mul3A = arith.constant 16 : i32
    %mul3A_0 = arith.muli %arg0, %mul3A : i32
    %add3A = arith.addi %mul3A_0, %arg1 : i32
    %mul3A_1 = arith.constant 640 : i32
    %mul3A_2 = arith.muli %arg1, %mul3A_1 : i32
    %multiple_of3A = tpu.assume_multiple %mul3A_2, 128 : i32
    %scan3A = arith.constant 0 : i32
    %scan3A_3 = arith.constant 128 : i32
    %scan3A_4 = arith.addi %scan3A, %scan3A_3 : i32
    %scan3A_5 = arith.constant 1 : i32
    scf.for %scan3A_197 = %scan3A to %scan3A_4 step %scan3A_5  : i32 {
      %mul3A_198 = arith.constant 1 : i32
      %mul3A_199 = arith.muli %scan3A_197, %mul3A_198 : i32
      %add3A_200 = arith.constant 0 : i32
      %add3A_201 = arith.addi %add3A_200, %mul3A_199 : i32
      %broadcast_in_dim3A = arith.constant 0.000000e+00 : f32
      %broadcast_in_dim3A_202 = vector.broadcast %broadcast_in_dim3A : f32 to vector<16xf32>
      %swap3A = arith.constant 0 : i32
      %swap3A_203 = arith.index_cast %swap3A : i32 to index
      %swap3A_204 = arith.index_cast %add3A_201 : i32 to index
      %swap3A_205 = arith.constant 0 : index
      %swap3A_206 = tpu.vector_load %arg6[%swap3A_203, %swap3A_204, %swap3A_205] {strides = array<i32>} : memref<2x128x128xf32, #tpu.memory_space<vmem>>, vector<1x1x16xf32>,
      %swap3A_207 = vector.shape_cast %swap3A_206 : vector<1x1x16xf32> to vector<16xf32>
      %swap3A_208 = vector.shape_cast %broadcast_in_dim3A_202 : vector<16xf32> to vector<1x1x16xf32>
      tpu.vector_store %arg6[%swap3A_203, %swap3A_204, %swap3A_205], %swap3A_208 {strides = array<i32>} : memref<2x128x128xf32, #tpu.memory_space<vmem>>, vector<1x1x16xf32>,
      %broadcast_in_dim3A_209 = arith.constant 0.000000e+00 : f32
      %broadcast_in_dim3A_210 = vector.broadcast %broadcast_in_dim3A_209 : f32 to vector<16xf32>
      %swap3A_211 = arith.constant 0 : i32
      %swap3A_212 = arith.index_cast %swap3A_211 : i32 to index
      %swap3A_213 = arith.index_cast %add3A_201 : i32 to index
      %swap3A_214 = arith.constant 16 : index
      %swap3A_215 = tpu.vector_load %arg6[%swap3A_212, %swap3A_213, %swap3A_214] {strides = array<i32>} : memref<2x128x128xf32, #tpu.memory_space<vmem>>, vector<1x1x16xf32>,
      %swap3A_216 = vector.shape_cast %swap3A_215 : vector<1x1x16xf32> to vector<16xf32>
      %swap3A_217 = vector.shape_cast %broadcast_in_dim3A_210 : vector<16xf32> to vector<1x1x16xf32>
      tpu.vector_store %arg6[%swap3A_212, %swap3A_213, %swap3A_214], %swap3A_217 {strides = array<i32>} : memref<2x128x128xf32, #tpu.memory_space<vmem>>, vector<1x1x16xf32>,
      %broadcast_in_dim3A_218 = arith.constant 0.000000e+00 : f32
      %broadcast_in_dim3A_219 = vector.broadcast %broadcast_in_dim3A_218 : f32 to vector<16xf32>
      %swap3A_220 = arith.constant 0 : i32
      %swap3A_221 = arith.index_cast %swap3A_220 : i32 to index
      %swap3A_222 = arith.index_cast %add3A_201 : i32 to index
      %swap3A_223 = arith.constant 32 : index
      %swap3A_224 = tpu.vector_load %arg6[%swap3A_221, %swap3A_222, %swap3A_223] {strides = array<i32>} : memref<2x128x128xf32, #tpu.memory_space<vmem>>, vector<1x1x16xf32>,
      %swap3A_225 = vector.shape_cast %swap3A_224 : vector<1x1x16xf32> to vector<16xf32>
      %swap3A_226 = vector.shape_cast %broadcast_in_dim3A_219 : vector<16xf32> to vector<1x1x16xf32>
      tpu.vector_store %arg6[%swap3A_221, %swap3A_222, %swap3A_223], %swap3A_226 {strides = array<i32>} : memref<2x128x128xf32, #tpu.memory_space<vmem>>, vector<1x1x16xf32>,
      %broadcast_in_dim3A_227 = arith.constant 0.000000e+00 : f32
      %broadcast_in_dim3A_228 = vector.broadcast %broadcast_in_dim3A_227 : f32 to vector<16xf32>
      %swap3A_229 = arith.constant 0 : i32
      %swap3A_230 = arith.index_cast %swap3A_229 : i32 to index
      %swap3A_231 = arith.index_cast %add3A_201 : i32 to index
      %swap3A_232 = arith.constant 48 : index
      %swap3A_233 = tpu.vector_load %arg6[%swap3A_230, %swap3A_231, %swap3A_232] {strides = array<i32>} : memref<2x128x128xf32, #tpu.memory_space<vmem>>, vector<1x1x16xf32>,
      %swap3A_234 = vector.shape_cast %swap3A_233 : vector<1x1x16xf32> to vector<16xf32>
      %swap3A_235 = vector.shape_cast %broadcast_in_dim3A_228 : vector<16xf32> to vector<1x1x16xf32>
      tpu.vector_store %arg6[%swap3A_230, %swap3A_231, %swap3A_232], %swap3A_235 {strides = array<i32>} : memref<2x128x128xf32, #tpu.memory_space<vmem>>, vector<1x1x16xf32>,
      %broadcast_in_dim3A_236 = arith.constant 0.000000e+00 : f32
      %broadcast_in_dim3A_237 = vector.broadcast %broadcast_in_dim3A_236 : f32 to vector<16xf32>
      %swap3A_238 = arith.constant 0 : i32
      %swap3A_239 = arith.index_cast %swap3A_238 : i32 to index
      %swap3A_240 = arith.index_cast %add3A_201 : i32 to index
      %swap3A_241 = arith.constant 64 : index
      %swap3A_242 = tpu.vector_load %arg6[%swap3A_239, %swap3A_240, %swap3A_241] {strides = array<i32>} : memref<2x128x128xf32, #tpu.memory_space<vmem>>, vector<1x1x16xf32>,
      %swap3A_243 = vector.shape_cast %swap3A_242 : vector<1x1x16xf32> to vector<16xf32>
      %swap3A_244 = vector.shape_cast %broadcast_in_dim3A_237 : vector<16xf32> to vector<1x1x16xf32>
      tpu.vector_store %arg6[%swap3A_239, %swap3A_240, %swap3A_241], %swap3A_244 {strides = array<i32>} : memref<2x128x128xf32, #tpu.memory_space<vmem>>, vector<1x1x16xf32>,
      %broadcast_in_dim3A_245 = arith.constant 0.000000e+00 : f32
      %broadcast_in_dim3A_246 = vector.broadcast %broadcast_in_dim3A_245 : f32 to vector<16xf32>
      %swap3A_247 = arith.constant 0 : i32
      %swap3A_248 = arith.index_cast %swap3A_247 : i32 to index
      %swap3A_249 = arith.index_cast %add3A_201 : i32 to index
      %swap3A_250 = arith.constant 80 : index
      %swap3A_251 = tpu.vector_load %arg6[%swap3A_248, %swap3A_249, %swap3A_250] {strides = array<i32>} : memref<2x128x128xf32, #tpu.memory_space<vmem>>, vector<1x1x16xf32>,
      %swap3A_252 = vector.shape_cast %swap3A_251 : vector<1x1x16xf32> to vector<16xf32>
      %swap3A_253 = vector.shape_cast %broadcast_in_dim3A_246 : vector<16xf32> to vector<1x1x16xf32>
      tpu.vector_store %arg6[%swap3A_248, %swap3A_249, %swap3A_250], %swap3A_253 {strides = array<i32>} : memref<2x128x128xf32, #tpu.memory_space<vmem>>, vector<1x1x16xf32>,
      %broadcast_in_dim3A_254 = arith.constant 0.000000e+00 : f32
      %broadcast_in_dim3A_255 = vector.broadcast %broadcast_in_dim3A_254 : f32 to vector<16xf32>
      %swap3A_256 = arith.constant 0 : i32
      %swap3A_257 = arith.index_cast %swap3A_256 : i32 to index
      %swap3A_258 = arith.index_cast %add3A_201 : i32 to index
      %swap3A_259 = arith.constant 96 : index
      %swap3A_260 = tpu.vector_load %arg6[%swap3A_257, %swap3A_258, %swap3A_259] {strides = array<i32>} : memref<2x128x128xf32, #tpu.memory_space<vmem>>, vector<1x1x16xf32>,
      %swap3A_261 = vector.shape_cast %swap3A_260 : vector<1x1x16xf32> to vector<16xf32>
      %swap3A_262 = vector.shape_cast %broadcast_in_dim3A_255 : vector<16xf32> to vector<1x1x16xf32>
      tpu.vector_store %arg6[%swap3A_257, %swap3A_258, %swap3A_259], %swap3A_262 {strides = array<i32>} : memref<2x128x128xf32, #tpu.memory_space<vmem>>, vector<1x1x16xf32>,
      %broadcast_in_dim3A_263 = arith.constant 0.000000e+00 : f32
      %broadcast_in_dim3A_264 = vector.broadcast %broadcast_in_dim3A_263 : f32 to vector<16xf32>
      %swap3A_265 = arith.constant 0 : i32
      %swap3A_266 = arith.index_cast %swap3A_265 : i32 to index
      %swap3A_267 = arith.index_cast %add3A_201 : i32 to index
      %swap3A_268 = arith.constant 112 : index
      %swap3A_269 = tpu.vector_load %arg6[%swap3A_266, %swap3A_267, %swap3A_268] {strides = array<i32>} : memref<2x128x128xf32, #tpu.memory_space<vmem>>, vector<1x1x16xf32>,
      %swap3A_270 = vector.shape_cast %swap3A_269 : vector<1x1x16xf32> to vector<16xf32>
      %swap3A_271 = vector.shape_cast %broadcast_in_dim3A_264 : vector<16xf32> to vector<1x1x16xf32>
      tpu.vector_store %arg6[%swap3A_266, %swap3A_267, %swap3A_268], %swap3A_271 {strides = array<i32>} : memref<2x128x128xf32, #tpu.memory_space<vmem>>, vector<1x1x16xf32>,
    }
    %scan3A_6 = arith.constant 128 : i32
    %scan3A_7 = arith.constant 0 : i32
    %scan3A_8 = arith.constant 5 : i32
    %scan3A_9 = arith.addi %scan3A_7, %scan3A_8 : i32
    %scan3A_10 = arith.constant 1 : i32
    scf.for %scan3A_197 = %scan3A_7 to %scan3A_9 step %scan3A_10  : i32 {
      %mul3A_198 = arith.constant 1 : i32
      %mul3A_199 = arith.muli %scan3A_197, %mul3A_198 : i32
      %add3A_200 = arith.constant 0 : i32
      %add3A_201 = arith.addi %add3A_200, %mul3A_199 : i32
      %mul3A_202 = arith.constant 128 : i32
      %mul3A_203 = arith.muli %add3A_201, %mul3A_202 : i32
      %add3A_204 = arith.addi %multiple_of3A, %mul3A_203 : i32
      %multiple_of3A_205 = tpu.assume_multiple %add3A_204, 128 : i32
      %run_scoped3A = arith.constant 0 : i32
      "tpu.region"() ({
        %run_scoped3A_206 = tpu.sem_alloc : memref<!tpu.dma_semaphore, #tpu.memory_space<semaphore_mem>>
        %dma_start3A_207 = arith.constant 0 : i32
        %dma_start3A_208 = arith.constant 0 : i32
        %dma_start3A_209 = tpu.memref_slice %arg6[%run_scoped3A, %dma_start3A_207, %dma_start3A_208] : memref<2x128x128xf32, #tpu.memory_space<vmem>> -> memref<1x128x128xf32, #tpu.memory_space<vmem>>
        %dma_start3A_210 = tpu.memref_squeeze %dma_start3A_209 : memref<1x128x128xf32, #tpu.memory_space<vmem>> -> memref<128x128xf32, #tpu.memory_space<vmem>>
        %dma_start3A_211 = arith.constant 0 : i32
        %dma_start3A_212 = tpu.memref_slice %arg7[%multiple_of3A_205, %dma_start3A_211] : memref<10240x128xf32, #tpu.memory_space<vmem_shared>> -> memref<128x128xf32, #tpu.memory_space<vmem_shared>>
        %dma_start3A_213 = arith.constant 0 : i32
        %dma_start3A_214 = tpu.memref_slice %arg7[%multiple_of3A_205, %dma_start3A_213] : memref<10240x128xf32, #tpu.memory_space<vmem_shared>> -> memref<128x128xf32, #tpu.memory_space<vmem_shared>>
        %dma_start3A_215 = arith.constant 0 : i32
        %dma_start3A_216 = arith.constant 0 : i32
        %dma_start3A_217 = tpu.memref_slice %arg6[%run_scoped3A, %dma_start3A_215, %dma_start3A_216] : memref<2x128x128xf32, #tpu.memory_space<vmem>> -> memref<1x128x128xf32, #tpu.memory_space<vmem>>
        %dma_start3A_218 = tpu.memref_squeeze %dma_start3A_217 : memref<1x128x128xf32, #tpu.memory_space<vmem>> -> memref<128x128xf32, #tpu.memory_space<vmem>>
        tpu.enqueue_dma source(%dma_start3A_218 : memref<128x128xf32, #tpu.memory_space<vmem>>) target(%dma_start3A_214 : memref<128x128xf32, #tpu.memory_space<vmem_shared>>) target_semaphore(%run_scoped3A_206 : memref<!tpu.dma_semaphore, #tpu.memory_space<semaphore_mem>>)
        %dma_wait3A_219 = arith.constant 0 : i32
        %dma_wait3A_220 = arith.constant 0 : i32
        %dma_wait3A_221 = tpu.memref_slice %arg6[%run_scoped3A, %dma_wait3A_219, %dma_wait3A_220] : memref<2x128x128xf32, #tpu.memory_space<vmem>> -> memref<1x128x128xf32, #tpu.memory_space<vmem>>
        %dma_wait3A_222 = tpu.memref_squeeze %dma_wait3A_221 : memref<1x128x128xf32, #tpu.memory_space<vmem>> -> memref<128x128xf32, #tpu.memory_space<vmem>>
        %dma_wait3A_223 = arith.constant 0 : i32
        %dma_wait3A_224 = tpu.memref_slice %arg7[%multiple_of3A_205, %dma_wait3A_223] : memref<10240x128xf32, #tpu.memory_space<vmem_shared>> -> memref<128x128xf32, #tpu.memory_space<vmem_shared>>
        %dma_wait3A_225 = arith.constant 0 : i32
        %dma_wait3A_226 = tpu.memref_slice %arg7[%multiple_of3A_205, %dma_wait3A_225] : memref<10240x128xf32, #tpu.memory_space<vmem_shared>> -> memref<128x128xf32, #tpu.memory_space<vmem_shared>>
        %dma_wait3A_227 = arith.constant 0 : i32
        %dma_wait3A_228 = arith.constant 0 : i32
        %dma_wait3A_229 = tpu.memref_slice %arg6[%run_scoped3A, %dma_wait3A_227, %dma_wait3A_228] : memref<2x128x128xf32, #tpu.memory_space<vmem>> -> memref<1x128x128xf32, #tpu.memory_space<vmem>>
        %dma_wait3A_230 = tpu.memref_squeeze %dma_wait3A_229 : memref<1x128x128xf32, #tpu.memory_space<vmem>> -> memref<128x128xf32, #tpu.memory_space<vmem>>
        tpu.wait_dma2 semaphore(%run_scoped3A_206 : memref<!tpu.dma_semaphore, #tpu.memory_space<semaphore_mem>>) src(%dma_wait3A_230 : memref<128x128xf32, #tpu.memory_space<vmem>>) dst(%dma_wait3A_226 : memref<128x128xf32, #tpu.memory_space<vmem_shared>>)
        tpu.yield
      }) : () -> ()
    }
    %scan3A_11 = arith.constant 5 : i32
    %barrier3A = arith.constant 0 : index
    tpu.barrier barrier_id(%barrier3A)
    %add3A_12 = arith.constant 0 : i32
    %add3A_13 = arith.addi %add3A_12, %add3A : i32
    %mul3A_14 = arith.constant 128 : i32
    %mul3A_15 = arith.muli %add3A_13, %mul3A_14 : i32
    %multiple_of3A_16 = tpu.assume_multiple %mul3A_15, 128 : i32
    %dma_start3A = arith.constant 0 : i32
    %dma_start3A_17 = arith.constant 0 : i32
    %dma_start3A_18 = arith.constant 0 : i32
    %dma_start3A_19 = arith.constant 0 : i32
    %dma_start3A_20 = tpu.memref_slice %arg5[%dma_start3A_17, %dma_start3A_18, %dma_start3A_19] : memref<4x2x128xi32, #tpu.memory_space<vmem>> -> memref<1x1x128xi32, #tpu.memory_space<vmem>>
    %dma_start3A_21 = tpu.memref_squeeze %dma_start3A_20 : memref<1x1x128xi32, #tpu.memory_space<vmem>> -> memref<128xi32, #tpu.memory_space<vmem>>
    %dma_start3A_22 = tpu.memref_slice %arg3[%dma_start3A, %multiple_of3A_16] : memref<2x327680xi32, #tpu.memory_space<hbm>> -> memref<1x128xi32, #tpu.memory_space<hbm>>
    %dma_start3A_23 = tpu.memref_squeeze %dma_start3A_22 : memref<1x128xi32, #tpu.memory_space<hbm>> -> memref<128xi32, #tpu.memory_space<hbm>>
    %dma_start3A_24 = arith.constant 0 : i32
    %dma_start3A_25 = tpu.memref_slice %arg5[%dma_start3A_17, %dma_start3A_18, %dma_start3A_24] : memref<4x2x128xi32, #tpu.memory_space<vmem>> -> memref<1x1x128xi32, #tpu.memory_space<vmem>>
    %dma_start3A_26 = tpu.memref_squeeze %dma_start3A_25 : memref<1x1x128xi32, #tpu.memory_space<vmem>> -> memref<128xi32, #tpu.memory_space<vmem>>
    %dma_start3A_27 = tpu.memref_slice %arg3[%dma_start3A, %multiple_of3A_16] : memref<2x327680xi32, #tpu.memory_space<hbm>> -> memref<1x128xi32, #tpu.memory_space<hbm>>
    %dma_start3A_28 = tpu.memref_squeeze %dma_start3A_27 : memref<1x128xi32, #tpu.memory_space<hbm>> -> memref<128xi32, #tpu.memory_space<hbm>>
    tpu.enqueue_dma source(%dma_start3A_28 : memref<128xi32, #tpu.memory_space<hbm>>) target(%dma_start3A_26 : memref<128xi32, #tpu.memory_space<vmem>>) target_semaphore(%arg8 : memref<!tpu.dma_semaphore, #tpu.memory_space<semaphore_mem>>)
    %dma_start3A_29 = arith.constant 1 : i32
    %dma_start3A_30 = arith.constant 0 : i32
    %dma_start3A_31 = arith.constant 1 : i32
    %dma_start3A_32 = arith.constant 0 : i32
    %dma_start3A_33 = tpu.memref_slice %arg5[%dma_start3A_30, %dma_start3A_31, %dma_start3A_32] : memref<4x2x128xi32, #tpu.memory_space<vmem>> -> memref<1x1x128xi32, #tpu.memory_space<vmem>>
    %dma_start3A_34 = tpu.memref_squeeze %dma_start3A_33 : memref<1x1x128xi32, #tpu.memory_space<vmem>> -> memref<128xi32, #tpu.memory_space<vmem>>
    %dma_start3A_35 = tpu.memref_slice %arg3[%dma_start3A_29, %multiple_of3A_16] : memref<2x327680xi32, #tpu.memory_space<hbm>> -> memref<1x128xi32, #tpu.memory_space<hbm>>
    %dma_start3A_36 = tpu.memref_squeeze %dma_start3A_35 : memref<1x128xi32, #tpu.memory_space<hbm>> -> memref<128xi32, #tpu.memory_space<hbm>>
    %dma_start3A_37 = arith.constant 0 : i32
    %dma_start3A_38 = tpu.memref_slice %arg5[%dma_start3A_30, %dma_start3A_31, %dma_start3A_37] : memref<4x2x128xi32, #tpu.memory_space<vmem>> -> memref<1x1x128xi32, #tpu.memory_space<vmem>>
    %dma_start3A_39 = tpu.memref_squeeze %dma_start3A_38 : memref<1x1x128xi32, #tpu.memory_space<vmem>> -> memref<128xi32, #tpu.memory_space<vmem>>
    %dma_start3A_40 = tpu.memref_slice %arg3[%dma_start3A_29, %multiple_of3A_16] : memref<2x327680xi32, #tpu.memory_space<hbm>> -> memref<1x128xi32, #tpu.memory_space<hbm>>
    %dma_start3A_41 = tpu.memref_squeeze %dma_start3A_40 : memref<1x128xi32, #tpu.memory_space<hbm>> -> memref<128xi32, #tpu.memory_space<hbm>>
    tpu.enqueue_dma source(%dma_start3A_41 : memref<128xi32, #tpu.memory_space<hbm>>) target(%dma_start3A_39 : memref<128xi32, #tpu.memory_space<vmem>>) target_semaphore(%arg8 : memref<!tpu.dma_semaphore, #tpu.memory_space<semaphore_mem>>)
    %add3A_42 = arith.constant 32 : i32
    %add3A_43 = arith.addi %add3A_42, %add3A : i32
    %mul3A_44 = arith.constant 128 : i32
    %mul3A_45 = arith.muli %add3A_43, %mul3A_44 : i32
    %multiple_of3A_46 = tpu.assume_multiple %mul3A_45, 128 : i32
    %dma_start3A_47 = arith.constant 0 : i32
    %dma_start3A_48 = arith.constant 1 : i32
    %dma_start3A_49 = arith.constant 0 : i32
    %dma_start3A_50 = arith.constant 0 : i32
    %dma_start3A_51 = tpu.memref_slice %arg5[%dma_start3A_48, %dma_start3A_49, %dma_start3A_50] : memref<4x2x128xi32, #tpu.memory_space<vmem>> -> memref<1x1x128xi32, #tpu.memory_space<vmem>>
    %dma_start3A_52 = tpu.memref_squeeze %dma_start3A_51 : memref<1x1x128xi32, #tpu.memory_space<vmem>> -> memref<128xi32, #tpu.memory_space<vmem>>
    %dma_start3A_53 = tpu.memref_slice %arg3[%dma_start3A_47, %multiple_of3A_46] : memref<2x327680xi32, #tpu.memory_space<hbm>> -> memref<1x128xi32, #tpu.memory_space<hbm>>
    %dma_start3A_54 = tpu.memref_squeeze %dma_start3A_53 : memref<1x128xi32, #tpu.memory_space<hbm>> -> memref<128xi32, #tpu.memory_space<hbm>>
    %dma_start3A_55 = arith.constant 0 : i32
    %dma_start3A_56 = tpu.memref_slice %arg5[%dma_start3A_48, %dma_start3A_49, %dma_start3A_55] : memref<4x2x128xi32, #tpu.memory_space<vmem>> -> memref<1x1x128xi32, #tpu.memory_space<vmem>>
    %dma_start3A_57 = tpu.memref_squeeze %dma_start3A_56 : memref<1x1x128xi32, #tpu.memory_space<vmem>> -> memref<128xi32, #tpu.memory_space<vmem>>
    %dma_start3A_58 = tpu.memref_slice %arg3[%dma_start3A_47, %multiple_of3A_46] : memref<2x327680xi32, #tpu.memory_space<hbm>> -> memref<1x128xi32, #tpu.memory_space<hbm>>
    %dma_start3A_59 = tpu.memref_squeeze %dma_start3A_58 : memref<1x128xi32, #tpu.memory_space<hbm>> -> memref<128xi32, #tpu.memory_space<hbm>>
    tpu.enqueue_dma source(%dma_start3A_59 : memref<128xi32, #tpu.memory_space<hbm>>) target(%dma_start3A_57 : memref<128xi32, #tpu.memory_space<vmem>>) target_semaphore(%arg9 : memref<!tpu.dma_semaphore, #tpu.memory_space<semaphore_mem>>)
    %dma_start3A_60 = arith.constant 1 : i32
    %dma_start3A_61 = arith.constant 1 : i32
    %dma_start3A_62 = arith.constant 1 : i32
    %dma_start3A_63 = arith.constant 0 : i32
    %dma_start3A_64 = tpu.memref_slice %arg5[%dma_start3A_61, %dma_start3A_62, %dma_start3A_63] : memref<4x2x128xi32, #tpu.memory_space<vmem>> -> memref<1x1x128xi32, #tpu.memory_space<vmem>>
    %dma_start3A_65 = tpu.memref_squeeze %dma_start3A_64 : memref<1x1x128xi32, #tpu.memory_space<vmem>> -> memref<128xi32, #tpu.memory_space<vmem>>
    %dma_start3A_66 = tpu.memref_slice %arg3[%dma_start3A_60, %multiple_of3A_46] : memref<2x327680xi32, #tpu.memory_space<hbm>> -> memref<1x128xi32, #tpu.memory_space<hbm>>
    %dma_start3A_67 = tpu.memref_squeeze %dma_start3A_66 : memref<1x128xi32, #tpu.memory_space<hbm>> -> memref<128xi32, #tpu.memory_space<hbm>>
    %dma_start3A_68 = arith.constant 0 : i32
    %dma_start3A_69 = tpu.memref_slice %arg5[%dma_start3A_61, %dma_start3A_62, %dma_start3A_68] : memref<4x2x128xi32, #tpu.memory_space<vmem>> -> memref<1x1x128xi32, #tpu.memory_space<vmem>>
    %dma_start3A_70 = tpu.memref_squeeze %dma_start3A_69 : memref<1x1x128xi32, #tpu.memory_space<vmem>> -> memref<128xi32, #tpu.memory_space<vmem>>
    %dma_start3A_71 = tpu.memref_slice %arg3[%dma_start3A_60, %multiple_of3A_46] : memref<2x327680xi32, #tpu.memory_space<hbm>> -> memref<1x128xi32, #tpu.memory_space<hbm>>
    %dma_start3A_72 = tpu.memref_squeeze %dma_start3A_71 : memref<1x128xi32, #tpu.memory_space<hbm>> -> memref<128xi32, #tpu.memory_space<hbm>>
    tpu.enqueue_dma source(%dma_start3A_72 : memref<128xi32, #tpu.memory_space<hbm>>) target(%dma_start3A_70 : memref<128xi32, #tpu.memory_space<vmem>>) target_semaphore(%arg9 : memref<!tpu.dma_semaphore, #tpu.memory_space<semaphore_mem>>)
    %add3A_73 = arith.constant 0 : i32
    %add3A_74 = arith.addi %add3A_73, %add3A : i32
    %mul3A_75 = arith.constant 128 : i32
    %mul3A_76 = arith.muli %add3A_74, %mul3A_75 : i32
    %multiple_of3A_77 = tpu.assume_multiple %mul3A_76, 128 : i32
    %dma_wait3A = arith.constant 0 : i32
    %dma_wait3A_78 = arith.constant 0 : i32
    %dma_wait3A_79 = arith.constant 0 : i32
    %dma_wait3A_80 = arith.constant 0 : i32
    %dma_wait3A_81 = tpu.memref_slice %arg5[%dma_wait3A_78, %dma_wait3A_79, %dma_wait3A_80] : memref<4x2x128xi32, #tpu.memory_space<vmem>> -> memref<1x1x128xi32, #tpu.memory_space<vmem>>
    %dma_wait3A_82 = tpu.memref_squeeze %dma_wait3A_81 : memref<1x1x128xi32, #tpu.memory_space<vmem>> -> memref<128xi32, #tpu.memory_space<vmem>>
    %dma_wait3A_83 = tpu.memref_slice %arg3[%dma_wait3A, %multiple_of3A_77] : memref<2x327680xi32, #tpu.memory_space<hbm>> -> memref<1x128xi32, #tpu.memory_space<hbm>>
    %dma_wait3A_84 = tpu.memref_squeeze %dma_wait3A_83 : memref<1x128xi32, #tpu.memory_space<hbm>> -> memref<128xi32, #tpu.memory_space<hbm>>
    %dma_wait3A_85 = arith.constant 0 : i32
    %dma_wait3A_86 = tpu.memref_slice %arg5[%dma_wait3A_78, %dma_wait3A_79, %dma_wait3A_85] : memref<4x2x128xi32, #tpu.memory_space<vmem>> -> memref<1x1x128xi32, #tpu.memory_space<vmem>>
    %dma_wait3A_87 = tpu.memref_squeeze %dma_wait3A_86 : memref<1x1x128xi32, #tpu.memory_space<vmem>> -> memref<128xi32, #tpu.memory_space<vmem>>
    %dma_wait3A_88 = tpu.memref_slice %arg3[%dma_wait3A, %multiple_of3A_77] : memref<2x327680xi32, #tpu.memory_space<hbm>> -> memref<1x128xi32, #tpu.memory_space<hbm>>
    %dma_wait3A_89 = tpu.memref_squeeze %dma_wait3A_88 : memref<1x128xi32, #tpu.memory_space<hbm>> -> memref<128xi32, #tpu.memory_space<hbm>>
    tpu.wait_dma2 semaphore(%arg8 : memref<!tpu.dma_semaphore, #tpu.memory_space<semaphore_mem>>) src(%dma_wait3A_89 : memref<128xi32, #tpu.memory_space<hbm>>) dst(%dma_wait3A_87 : memref<128xi32, #tpu.memory_space<vmem>>)
    %dma_wait3A_90 = arith.constant 1 : i32
    %dma_wait3A_91 = arith.constant 0 : i32
    %dma_wait3A_92 = arith.constant 1 : i32
    %dma_wait3A_93 = arith.constant 0 : i32
    %dma_wait3A_94 = tpu.memref_slice %arg5[%dma_wait3A_91, %dma_wait3A_92, %dma_wait3A_93] : memref<4x2x128xi32, #tpu.memory_space<vmem>> -> memref<1x1x128xi32, #tpu.memory_space<vmem>>
    %dma_wait3A_95 = tpu.memref_squeeze %dma_wait3A_94 : memref<1x1x128xi32, #tpu.memory_space<vmem>> -> memref<128xi32, #tpu.memory_space<vmem>>
    %dma_wait3A_96 = tpu.memref_slice %arg3[%dma_wait3A_90, %multiple_of3A_77] : memref<2x327680xi32, #tpu.memory_space<hbm>> -> memref<1x128xi32, #tpu.memory_space<hbm>>
    %dma_wait3A_97 = tpu.memref_squeeze %dma_wait3A_96 : memref<1x128xi32, #tpu.memory_space<hbm>> -> memref<128xi32, #tpu.memory_space<hbm>>
    %dma_wait3A_98 = arith.constant 0 : i32
    %dma_wait3A_99 = tpu.memref_slice %arg5[%dma_wait3A_91, %dma_wait3A_92, %dma_wait3A_98] : memref<4x2x128xi32, #tpu.memory_space<vmem>> -> memref<1x1x128xi32, #tpu.memory_space<vmem>>
    %dma_wait3A_100 = tpu.memref_squeeze %dma_wait3A_99 : memref<1x1x128xi32, #tpu.memory_space<vmem>> -> memref<128xi32, #tpu.memory_space<vmem>>
    %dma_wait3A_101 = tpu.memref_slice %arg3[%dma_wait3A_90, %multiple_of3A_77] : memref<2x327680xi32, #tpu.memory_space<hbm>> -> memref<1x128xi32, #tpu.memory_space<hbm>>
    %dma_wait3A_102 = tpu.memref_squeeze %dma_wait3A_101 : memref<1x128xi32, #tpu.memory_space<hbm>> -> memref<128xi32, #tpu.memory_space<hbm>>
    tpu.wait_dma2 semaphore(%arg8 : memref<!tpu.dma_semaphore, #tpu.memory_space<semaphore_mem>>) src(%dma_wait3A_102 : memref<128xi32, #tpu.memory_space<hbm>>) dst(%dma_wait3A_100 : memref<128xi32, #tpu.memory_space<vmem>>)
    %dma_start3A_103 = arith.constant 0 : i32
    %dma_start3A_104 = arith.constant 0 : i32
    %dma_start3A_105 = arith.constant 0 : i32
    %dma_start3A_106 = arith.constant 0 : i32
    %dma_start3A_107 = arith.constant 0 : i32
    %dma_start3A_108 = tpu.memref_slice %arg6[%dma_start3A_105, %dma_start3A_106, %dma_start3A_107] : memref<2x128x128xf32, #tpu.memory_space<vmem>> -> memref<1x128x128xf32, #tpu.memory_space<vmem>>
    %dma_start3A_109 = tpu.memref_squeeze %dma_start3A_108 : memref<1x128x128xf32, #tpu.memory_space<vmem>> -> memref<128x128xf32, #tpu.memory_space<vmem>>
    %dma_start3A_110 = arith.constant 0 : i32
    %dma_start3A_111 = tpu.memref_slice %arg5[%dma_start3A_103, %dma_start3A_104, %dma_start3A_110] : memref<4x2x128xi32, #tpu.memory_space<vmem>> -> memref<1x1x128xi32, #tpu.memory_space<vmem>>
    %dma_start3A_112 = tpu.memref_squeeze %dma_start3A_111 : memref<1x1x128xi32, #tpu.memory_space<vmem>> -> memref<128xi32, #tpu.memory_space<vmem>>
    %dma_start3A_113 = arith.constant 0 : i32
    %dma_start3A_114 = arith.constant 0 : i32
    %dma_start3A_115 = tpu.memref_slice %arg2[%dma_start3A_113, %dma_start3A_114] : memref<10000x128xf32, #tpu.memory_space<hbm>> -> memref<10000x128xf32, #tpu.memory_space<hbm>>
    tpu.enqueue_indirect_dma source(%dma_start3A_115 : memref<10000x128xf32, #tpu.memory_space<hbm>>) target(%dma_start3A_109 : memref<128x128xf32, #tpu.memory_space<vmem>>) offsets(%dma_start3A_112 : memref<128xi32, #tpu.memory_space<vmem>>) semaphore(%arg12 : memref<!tpu.dma_semaphore, #tpu.memory_space<semaphore_mem>>)
    %add3A_116 = arith.constant 32 : i32
    %add3A_117 = arith.addi %add3A_116, %add3A : i32
    %mul3A_118 = arith.constant 128 : i32
    %mul3A_119 = arith.muli %add3A_117, %mul3A_118 : i32
    %multiple_of3A_120 = tpu.assume_multiple %mul3A_119, 128 : i32
    %dma_wait3A_121 = arith.constant 0 : i32
    %dma_wait3A_122 = arith.constant 1 : i32
    %dma_wait3A_123 = arith.constant 0 : i32
    %dma_wait3A_124 = arith.constant 0 : i32
    %dma_wait3A_125 = tpu.memref_slice %arg5[%dma_wait3A_122, %dma_wait3A_123, %dma_wait3A_124] : memref<4x2x128xi32, #tpu.memory_space<vmem>> -> memref<1x1x128xi32, #tpu.memory_space<vmem>>
    %dma_wait3A_126 = tpu.memref_squeeze %dma_wait3A_125 : memref<1x1x128xi32, #tpu.memory_space<vmem>> -> memref<128xi32, #tpu.memory_space<vmem>>
    %dma_wait3A_127 = tpu.memref_slice %arg3[%dma_wait3A_121, %multiple_of3A_120] : memref<2x327680xi32, #tpu.memory_space<hbm>> -> memref<1x128xi32, #tpu.memory_space<hbm>>
    %dma_wait3A_128 = tpu.memref_squeeze %dma_wait3A_127 : memref<1x128xi32, #tpu.memory_space<hbm>> -> memref<128xi32, #tpu.memory_space<hbm>>
    %dma_wait3A_129 = arith.constant 0 : i32
    %dma_wait3A_130 = tpu.memref_slice %arg5[%dma_wait3A_122, %dma_wait3A_123, %dma_wait3A_129] : memref<4x2x128xi32, #tpu.memory_space<vmem>> -> memref<1x1x128xi32, #tpu.memory_space<vmem>>
    %dma_wait3A_131 = tpu.memref_squeeze %dma_wait3A_130 : memref<1x1x128xi32, #tpu.memory_space<vmem>> -> memref<128xi32, #tpu.memory_space<vmem>>
    %dma_wait3A_132 = tpu.memref_slice %arg3[%dma_wait3A_121, %multiple_of3A_120] : memref<2x327680xi32, #tpu.memory_space<hbm>> -> memref<1x128xi32, #tpu.memory_space<hbm>>
    %dma_wait3A_133 = tpu.memref_squeeze %dma_wait3A_132 : memref<1x128xi32, #tpu.memory_space<hbm>> -> memref<128xi32, #tpu.memory_space<hbm>>
    tpu.wait_dma2 semaphore(%arg9 : memref<!tpu.dma_semaphore, #tpu.memory_space<semaphore_mem>>) src(%dma_wait3A_133 : memref<128xi32, #tpu.memory_space<hbm>>) dst(%dma_wait3A_131 : memref<128xi32, #tpu.memory_space<vmem>>)
    %dma_wait3A_134 = arith.constant 1 : i32
    %dma_wait3A_135 = arith.constant 1 : i32
    %dma_wait3A_136 = arith.constant 1 : i32
    %dma_wait3A_137 = arith.constant 0 : i32
    %dma_wait3A_138 = tpu.memref_slice %arg5[%dma_wait3A_135, %dma_wait3A_136, %dma_wait3A_137] : memref<4x2x128xi32, #tpu.memory_space<vmem>> -> memref<1x1x128xi32, #tpu.memory_space<vmem>>
    %dma_wait3A_139 = tpu.memref_squeeze %dma_wait3A_138 : memref<1x1x128xi32, #tpu.memory_space<vmem>> -> memref<128xi32, #tpu.memory_space<vmem>>
    %dma_wait3A_140 = tpu.memref_slice %arg3[%dma_wait3A_134, %multiple_of3A_120] : memref<2x327680xi32, #tpu.memory_space<hbm>> -> memref<1x128xi32, #tpu.memory_space<hbm>>
    %dma_wait3A_141 = tpu.memref_squeeze %dma_wait3A_140 : memref<1x128xi32, #tpu.memory_space<hbm>> -> memref<128xi32, #tpu.memory_space<hbm>>
    %dma_wait3A_142 = arith.constant 0 : i32
    %dma_wait3A_143 = tpu.memref_slice %arg5[%dma_wait3A_135, %dma_wait3A_136, %dma_wait3A_142] : memref<4x2x128xi32, #tpu.memory_space<vmem>> -> memref<1x1x128xi32, #tpu.memory_space<vmem>>
    %dma_wait3A_144 = tpu.memref_squeeze %dma_wait3A_143 : memref<1x1x128xi32, #tpu.memory_space<vmem>> -> memref<128xi32, #tpu.memory_space<vmem>>
    %dma_wait3A_145 = tpu.memref_slice %arg3[%dma_wait3A_134, %multiple_of3A_120] : memref<2x327680xi32, #tpu.memory_space<hbm>> -> memref<1x128xi32, #tpu.memory_space<hbm>>
    %dma_wait3A_146 = tpu.memref_squeeze %dma_wait3A_145 : memref<1x128xi32, #tpu.memory_space<hbm>> -> memref<128xi32, #tpu.memory_space<hbm>>
    tpu.wait_dma2 semaphore(%arg9 : memref<!tpu.dma_semaphore, #tpu.memory_space<semaphore_mem>>) src(%dma_wait3A_146 : memref<128xi32, #tpu.memory_space<hbm>>) dst(%dma_wait3A_144 : memref<128xi32, #tpu.memory_space<vmem>>)
    %dma_start3A_147 = arith.constant 1 : i32
    %dma_start3A_148 = arith.constant 0 : i32
    %dma_start3A_149 = arith.constant 1 : i32
    %dma_start3A_150 = arith.constant 0 : i32
    %dma_start3A_151 = arith.constant 0 : i32
    %dma_start3A_152 = tpu.memref_slice %arg6[%dma_start3A_149, %dma_start3A_150, %dma_start3A_151] : memref<2x128x128xf32, #tpu.memory_space<vmem>> -> memref<1x128x128xf32, #tpu.memory_space<vmem>>
    %dma_start3A_153 = tpu.memref_squeeze %dma_start3A_152 : memref<1x128x128xf32, #tpu.memory_space<vmem>> -> memref<128x128xf32, #tpu.memory_space<vmem>>
    %dma_start3A_154 = arith.constant 0 : i32
    %dma_start3A_155 = tpu.memref_slice %arg5[%dma_start3A_147, %dma_start3A_148, %dma_start3A_154] : memref<4x2x128xi32, #tpu.memory_space<vmem>> -> memref<1x1x128xi32, #tpu.memory_space<vmem>>
    %dma_start3A_156 = tpu.memref_squeeze %dma_start3A_155 : memref<1x1x128xi32, #tpu.memory_space<vmem>> -> memref<128xi32, #tpu.memory_space<vmem>>
    %dma_start3A_157 = arith.constant 0 : i32
    %dma_start3A_158 = arith.constant 0 : i32
    %dma_start3A_159 = tpu.memref_slice %arg2[%dma_start3A_157, %dma_start3A_158] : memref<10000x128xf32, #tpu.memory_space<hbm>> -> memref<10000x128xf32, #tpu.memory_space<hbm>>
    tpu.enqueue_indirect_dma source(%dma_start3A_159 : memref<10000x128xf32, #tpu.memory_space<hbm>>) target(%dma_start3A_153 : memref<128x128xf32, #tpu.memory_space<vmem>>) offsets(%dma_start3A_156 : memref<128xi32, #tpu.memory_space<vmem>>) semaphore(%arg13 : memref<!tpu.dma_semaphore, #tpu.memory_space<semaphore_mem>>)
    %scan3A_160 = arith.constant 0 : i32
    %scan3A_161 = arith.constant 20 : i32
    %scan3A_162 = arith.addi %scan3A_160, %scan3A_161 : i32
    %scan3A_163 = arith.constant 1 : i32
    scf.for %scan3A_197 = %scan3A_160 to %scan3A_162 step %scan3A_163  : i32 {
      %mul3A_198 = arith.constant 1 : i32
      %mul3A_199 = arith.muli %scan3A_197, %mul3A_198 : i32
      %add3A_200 = arith.constant 0 : i32
      %add3A_201 = arith.addi %add3A_200, %mul3A_199 : i32
      %mul3A_202 = arith.constant 4 : i32
      %mul3A_203 = arith.muli %add3A_201, %mul3A_202 : i32
      %add3A_204 = arith.constant 0 : i32
      %add3A_205 = arith.addi %mul3A_203, %add3A_204 : i32
      %add3A_206 = arith.constant 2 : i32
      %add3A_207 = arith.addi %add3A_205, %add3A_206 : i32
      %lt3A = arith.constant 80 : i32
      %lt3A_208 = arith.cmpi slt, %add3A_207, %lt3A : i32
      %convert_element_type3A = arith.extui %lt3A_208 : i1 to i32
      %cond3A = arith.constant 0 : i32
      %cond3A_209 = arith.cmpi ne, %convert_element_type3A, %cond3A : i32
      scf.if %cond3A_209 {
        %add3A_375 = arith.constant 2 : i32
        %add3A_376 = arith.addi %add3A_205, %add3A_375 : i32
        %mul3A_377 = arith.constant 32 : i32
        %mul3A_378 = arith.muli %add3A_376, %mul3A_377 : i32
        %add3A_379 = arith.addi %mul3A_378, %add3A : i32
        %mul3A_380 = arith.constant 128 : i32
        %mul3A_381 = arith.muli %add3A_379, %mul3A_380 : i32
        %multiple_of3A_382 = tpu.assume_multiple %mul3A_381, 128 : i32
        %dma_start3A_383 = arith.constant 0 : i32
        %dma_start3A_384 = arith.constant 2 : i32
        %dma_start3A_385 = arith.constant 0 : i32
        %dma_start3A_386 = arith.constant 0 : i32
        %dma_start3A_387 = tpu.memref_slice %arg5[%dma_start3A_384, %dma_start3A_385, %dma_start3A_386] : memref<4x2x128xi32, #tpu.memory_space<vmem>> -> memref<1x1x128xi32, #tpu.memory_space<vmem>>
        %dma_start3A_388 = tpu.memref_squeeze %dma_start3A_387 : memref<1x1x128xi32, #tpu.memory_space<vmem>> -> memref<128xi32, #tpu.memory_space<vmem>>
        %dma_start3A_389 = tpu.memref_slice %arg3[%dma_start3A_383, %multiple_of3A_382] : memref<2x327680xi32, #tpu.memory_space<hbm>> -> memref<1x128xi32, #tpu.memory_space<hbm>>
        %dma_start3A_390 = tpu.memref_squeeze %dma_start3A_389 : memref<1x128xi32, #tpu.memory_space<hbm>> -> memref<128xi32, #tpu.memory_space<hbm>>
        %dma_start3A_391 = arith.constant 0 : i32
        %dma_start3A_392 = tpu.memref_slice %arg5[%dma_start3A_384, %dma_start3A_385, %dma_start3A_391] : memref<4x2x128xi32, #tpu.memory_space<vmem>> -> memref<1x1x128xi32, #tpu.memory_space<vmem>>
        %dma_start3A_393 = tpu.memref_squeeze %dma_start3A_392 : memref<1x1x128xi32, #tpu.memory_space<vmem>> -> memref<128xi32, #tpu.memory_space<vmem>>
        %dma_start3A_394 = tpu.memref_slice %arg3[%dma_start3A_383, %multiple_of3A_382] : memref<2x327680xi32, #tpu.memory_space<hbm>> -> memref<1x128xi32, #tpu.memory_space<hbm>>
        %dma_start3A_395 = tpu.memref_squeeze %dma_start3A_394 : memref<1x128xi32, #tpu.memory_space<hbm>> -> memref<128xi32, #tpu.memory_space<hbm>>
        tpu.enqueue_dma source(%dma_start3A_395 : memref<128xi32, #tpu.memory_space<hbm>>) target(%dma_start3A_393 : memref<128xi32, #tpu.memory_space<vmem>>) target_semaphore(%arg10 : memref<!tpu.dma_semaphore, #tpu.memory_space<semaphore_mem>>)
        %dma_start3A_396 = arith.constant 1 : i32
        %dma_start3A_397 = arith.constant 2 : i32
        %dma_start3A_398 = arith.constant 1 : i32
        %dma_start3A_399 = arith.constant 0 : i32
        %dma_start3A_400 = tpu.memref_slice %arg5[%dma_start3A_397, %dma_start3A_398, %dma_start3A_399] : memref<4x2x128xi32, #tpu.memory_space<vmem>> -> memref<1x1x128xi32, #tpu.memory_space<vmem>>
        %dma_start3A_401 = tpu.memref_squeeze %dma_start3A_400 : memref<1x1x128xi32, #tpu.memory_space<vmem>> -> memref<128xi32, #tpu.memory_space<vmem>>
        %dma_start3A_402 = tpu.memref_slice %arg3[%dma_start3A_396, %multiple_of3A_382] : memref<2x327680xi32, #tpu.memory_space<hbm>> -> memref<1x128xi32, #tpu.memory_space<hbm>>
        %dma_start3A_403 = tpu.memref_squeeze %dma_start3A_402 : memref<1x128xi32, #tpu.memory_space<hbm>> -> memref<128xi32, #tpu.memory_space<hbm>>
        %dma_start3A_404 = arith.constant 0 : i32
        %dma_start3A_405 = tpu.memref_slice %arg5[%dma_start3A_397, %dma_start3A_398, %dma_start3A_404] : memref<4x2x128xi32, #tpu.memory_space<vmem>> -> memref<1x1x128xi32, #tpu.memory_space<vmem>>
        %dma_start3A_406 = tpu.memref_squeeze %dma_start3A_405 : memref<1x1x128xi32, #tpu.memory_space<vmem>> -> memref<128xi32, #tpu.memory_space<vmem>>
        %dma_start3A_407 = tpu.memref_slice %arg3[%dma_start3A_396, %multiple_of3A_382] : memref<2x327680xi32, #tpu.memory_space<hbm>> -> memref<1x128xi32, #tpu.memory_space<hbm>>
        %dma_start3A_408 = tpu.memref_squeeze %dma_start3A_407 : memref<1x128xi32, #tpu.memory_space<hbm>> -> memref<128xi32, #tpu.memory_space<hbm>>
        tpu.enqueue_dma source(%dma_start3A_408 : memref<128xi32, #tpu.memory_space<hbm>>) target(%dma_start3A_406 : memref<128xi32, #tpu.memory_space<vmem>>) target_semaphore(%arg10 : memref<!tpu.dma_semaphore, #tpu.memory_space<semaphore_mem>>)
      } else {
      }
      %dma_wait3A_210 = arith.constant 0 : i32
      %dma_wait3A_211 = arith.constant 0 : i32
      %dma_wait3A_212 = arith.constant 0 : i32
      %dma_wait3A_213 = arith.constant 0 : i32
      %dma_wait3A_214 = arith.constant 0 : i32
      %dma_wait3A_215 = tpu.memref_slice %arg6[%dma_wait3A_212, %dma_wait3A_213, %dma_wait3A_214] : memref<2x128x128xf32, #tpu.memory_space<vmem>> -> memref<1x128x128xf32, #tpu.memory_space<vmem>>
      %dma_wait3A_216 = tpu.memref_squeeze %dma_wait3A_215 : memref<1x128x128xf32, #tpu.memory_space<vmem>> -> memref<128x128xf32, #tpu.memory_space<vmem>>
      %dma_wait3A_217 = arith.constant 0 : i32
      %dma_wait3A_218 = tpu.memref_slice %arg5[%dma_wait3A_210, %dma_wait3A_211, %dma_wait3A_217] : memref<4x2x128xi32, #tpu.memory_space<vmem>> -> memref<1x1x128xi32, #tpu.memory_space<vmem>>
      %dma_wait3A_219 = tpu.memref_squeeze %dma_wait3A_218 : memref<1x1x128xi32, #tpu.memory_space<vmem>> -> memref<128xi32, #tpu.memory_space<vmem>>
      %dma_wait3A_220 = arith.constant 0 : i32
      %dma_wait3A_221 = arith.constant 0 : i32
      %dma_wait3A_222 = tpu.memref_slice %arg2[%dma_wait3A_220, %dma_wait3A_221] : memref<10000x128xf32, #tpu.memory_space<hbm>> -> memref<10000x128xf32, #tpu.memory_space<hbm>>
      tpu.wait_indirect_dma semaphore(%arg12 : memref<!tpu.dma_semaphore, #tpu.memory_space<semaphore_mem>>) src(%dma_wait3A_222 : memref<10000x128xf32, #tpu.memory_space<hbm>>) dst(%dma_wait3A_216 : memref<128x128xf32, #tpu.memory_space<vmem>>)
      %dma_start3A_223 = arith.constant 0 : i32
      %dma_start3A_224 = arith.constant 0 : i32
      %dma_start3A_225 = arith.constant 1 : i32
      %dma_start3A_226 = arith.constant 0 : i32
      %dma_start3A_227 = arith.constant 0 : i32
      %dma_start3A_228 = tpu.memref_slice %arg6[%dma_start3A_223, %dma_start3A_226, %dma_start3A_227] : memref<2x128x128xf32, #tpu.memory_space<vmem>> -> memref<1x128x128xf32, #tpu.memory_space<vmem>>
      %dma_start3A_229 = tpu.memref_squeeze %dma_start3A_228 : memref<1x128x128xf32, #tpu.memory_space<vmem>> -> memref<128x128xf32, #tpu.memory_space<vmem>>
      %dma_start3A_230 = arith.constant 0 : i32
      %dma_start3A_231 = tpu.memref_slice %arg5[%dma_start3A_224, %dma_start3A_225, %dma_start3A_230] : memref<4x2x128xi32, #tpu.memory_space<vmem>> -> memref<1x1x128xi32, #tpu.memory_space<vmem>>
      %dma_start3A_232 = tpu.memref_squeeze %dma_start3A_231 : memref<1x1x128xi32, #tpu.memory_space<vmem>> -> memref<128xi32, #tpu.memory_space<vmem>>
      %dma_start3A_233 = arith.constant 0 : i32
      %dma_start3A_234 = arith.constant 0 : i32
      %dma_start3A_235 = tpu.memref_slice %arg7[%dma_start3A_233, %dma_start3A_234] : memref<10240x128xf32, #tpu.memory_space<vmem_shared>> -> memref<10240x128xf32, #tpu.memory_space<vmem_shared>>
      tpu.enqueue_indirect_dma source(%dma_start3A_229 : memref<128x128xf32, #tpu.memory_space<vmem>>) target(%dma_start3A_235 : memref<10240x128xf32, #tpu.memory_space<vmem_shared>>) offsets(%dma_start3A_232 : memref<128xi32, #tpu.memory_space<vmem>>) semaphore(%arg14 : memref<!tpu.dma_semaphore, #tpu.memory_space<semaphore_mem>>) {add = true}
      %add3A_236 = arith.constant 2 : i32
      %add3A_237 = arith.addi %add3A_205, %add3A_236 : i32
      %lt3A_238 = arith.constant 80 : i32
      %lt3A_239 = arith.cmpi slt, %add3A_237, %lt3A_238 : i32
      %convert_element_type3A_240 = arith.extui %lt3A_239 : i1 to i32
      %cond3A_241 = arith.constant 0 : i32
      %cond3A_242 = arith.cmpi ne, %convert_element_type3A_240, %cond3A_241 : i32
      scf.if %cond3A_242 {
        %dma_wait3A_375 = arith.constant 0 : i32
        %dma_wait3A_376 = arith.constant 0 : i32
        %dma_wait3A_377 = arith.constant 1 : i32
        %dma_wait3A_378 = arith.constant 0 : i32
        %dma_wait3A_379 = arith.constant 0 : i32
        %dma_wait3A_380 = tpu.memref_slice %arg6[%dma_wait3A_375, %dma_wait3A_378, %dma_wait3A_379] : memref<2x128x128xf32, #tpu.memory_space<vmem>> -> memref<1x128x128xf32, #tpu.memory_space<vmem>>
        %dma_wait3A_381 = tpu.memref_squeeze %dma_wait3A_380 : memref<1x128x128xf32, #tpu.memory_space<vmem>> -> memref<128x128xf32, #tpu.memory_space<vmem>>
        %dma_wait3A_382 = arith.constant 0 : i32
        %dma_wait3A_383 = tpu.memref_slice %arg5[%dma_wait3A_376, %dma_wait3A_377, %dma_wait3A_382] : memref<4x2x128xi32, #tpu.memory_space<vmem>> -> memref<1x1x128xi32, #tpu.memory_space<vmem>>
        %dma_wait3A_384 = tpu.memref_squeeze %dma_wait3A_383 : memref<1x1x128xi32, #tpu.memory_space<vmem>> -> memref<128xi32, #tpu.memory_space<vmem>>
        %dma_wait3A_385 = arith.constant 0 : i32
        %dma_wait3A_386 = arith.constant 0 : i32
        %dma_wait3A_387 = tpu.memref_slice %arg7[%dma_wait3A_385, %dma_wait3A_386] : memref<10240x128xf32, #tpu.memory_space<vmem_shared>> -> memref<10240x128xf32, #tpu.memory_space<vmem_shared>>
        tpu.wait_indirect_dma semaphore(%arg14 : memref<!tpu.dma_semaphore, #tpu.memory_space<semaphore_mem>>) src(%dma_wait3A_381 : memref<128x128xf32, #tpu.memory_space<vmem>>) dst(%dma_wait3A_387 : memref<10240x128xf32, #tpu.memory_space<vmem_shared>>)
        %add3A_388 = arith.constant 2 : i32
        %add3A_389 = arith.addi %add3A_205, %add3A_388 : i32
        %mul3A_390 = arith.constant 32 : i32
        %mul3A_391 = arith.muli %add3A_389, %mul3A_390 : i32
        %add3A_392 = arith.addi %mul3A_391, %add3A : i32
        %mul3A_393 = arith.constant 128 : i32
        %mul3A_394 = arith.muli %add3A_392, %mul3A_393 : i32
        %multiple_of3A_395 = tpu.assume_multiple %mul3A_394, 128 : i32
        %dma_wait3A_396 = arith.constant 0 : i32
        %dma_wait3A_397 = arith.constant 2 : i32
        %dma_wait3A_398 = arith.constant 0 : i32
        %dma_wait3A_399 = arith.constant 0 : i32
        %dma_wait3A_400 = tpu.memref_slice %arg5[%dma_wait3A_397, %dma_wait3A_398, %dma_wait3A_399] : memref<4x2x128xi32, #tpu.memory_space<vmem>> -> memref<1x1x128xi32, #tpu.memory_space<vmem>>
        %dma_wait3A_401 = tpu.memref_squeeze %dma_wait3A_400 : memref<1x1x128xi32, #tpu.memory_space<vmem>> -> memref<128xi32, #tpu.memory_space<vmem>>
        %dma_wait3A_402 = tpu.memref_slice %arg3[%dma_wait3A_396, %multiple_of3A_395] : memref<2x327680xi32, #tpu.memory_space<hbm>> -> memref<1x128xi32, #tpu.memory_space<hbm>>
        %dma_wait3A_403 = tpu.memref_squeeze %dma_wait3A_402 : memref<1x128xi32, #tpu.memory_space<hbm>> -> memref<128xi32, #tpu.memory_space<hbm>>
        %dma_wait3A_404 = arith.constant 0 : i32
        %dma_wait3A_405 = tpu.memref_slice %arg5[%dma_wait3A_397, %dma_wait3A_398, %dma_wait3A_404] : memref<4x2x128xi32, #tpu.memory_space<vmem>> -> memref<1x1x128xi32, #tpu.memory_space<vmem>>
        %dma_wait3A_406 = tpu.memref_squeeze %dma_wait3A_405 : memref<1x1x128xi32, #tpu.memory_space<vmem>> -> memref<128xi32, #tpu.memory_space<vmem>>
        %dma_wait3A_407 = tpu.memref_slice %arg3[%dma_wait3A_396, %multiple_of3A_395] : memref<2x327680xi32, #tpu.memory_space<hbm>> -> memref<1x128xi32, #tpu.memory_space<hbm>>
        %dma_wait3A_408 = tpu.memref_squeeze %dma_wait3A_407 : memref<1x128xi32, #tpu.memory_space<hbm>> -> memref<128xi32, #tpu.memory_space<hbm>>
        tpu.wait_dma2 semaphore(%arg10 : memref<!tpu.dma_semaphore, #tpu.memory_space<semaphore_mem>>) src(%dma_wait3A_408 : memref<128xi32, #tpu.memory_space<hbm>>) dst(%dma_wait3A_406 : memref<128xi32, #tpu.memory_space<vmem>>)
        %dma_wait3A_409 = arith.constant 1 : i32
        %dma_wait3A_410 = arith.constant 2 : i32
        %dma_wait3A_411 = arith.constant 1 : i32
        %dma_wait3A_412 = arith.constant 0 : i32
        %dma_wait3A_413 = tpu.memref_slice %arg5[%dma_wait3A_410, %dma_wait3A_411, %dma_wait3A_412] : memref<4x2x128xi32, #tpu.memory_space<vmem>> -> memref<1x1x128xi32, #tpu.memory_space<vmem>>
        %dma_wait3A_414 = tpu.memref_squeeze %dma_wait3A_413 : memref<1x1x128xi32, #tpu.memory_space<vmem>> -> memref<128xi32, #tpu.memory_space<vmem>>
        %dma_wait3A_415 = tpu.memref_slice %arg3[%dma_wait3A_409, %multiple_of3A_395] : memref<2x327680xi32, #tpu.memory_space<hbm>> -> memref<1x128xi32, #tpu.memory_space<hbm>>
        %dma_wait3A_416 = tpu.memref_squeeze %dma_wait3A_415 : memref<1x128xi32, #tpu.memory_space<hbm>> -> memref<128xi32, #tpu.memory_space<hbm>>
        %dma_wait3A_417 = arith.constant 0 : i32
        %dma_wait3A_418 = tpu.memref_slice %arg5[%dma_wait3A_410, %dma_wait3A_411, %dma_wait3A_417] : memref<4x2x128xi32, #tpu.memory_space<vmem>> -> memref<1x1x128xi32, #tpu.memory_space<vmem>>
        %dma_wait3A_419 = tpu.memref_squeeze %dma_wait3A_418 : memref<1x1x128xi32, #tpu.memory_space<vmem>> -> memref<128xi32, #tpu.memory_space<vmem>>
        %dma_wait3A_420 = tpu.memref_slice %arg3[%dma_wait3A_409, %multiple_of3A_395] : memref<2x327680xi32, #tpu.memory_space<hbm>> -> memref<1x128xi32, #tpu.memory_space<hbm>>
        %dma_wait3A_421 = tpu.memref_squeeze %dma_wait3A_420 : memref<1x128xi32, #tpu.memory_space<hbm>> -> memref<128xi32, #tpu.memory_space<hbm>>
        tpu.wait_dma2 semaphore(%arg10 : memref<!tpu.dma_semaphore, #tpu.memory_space<semaphore_mem>>) src(%dma_wait3A_421 : memref<128xi32, #tpu.memory_space<hbm>>) dst(%dma_wait3A_419 : memref<128xi32, #tpu.memory_space<vmem>>)
        %dma_start3A_422 = arith.constant 2 : i32
        %dma_start3A_423 = arith.constant 0 : i32
        %dma_start3A_424 = arith.constant 0 : i32
        %dma_start3A_425 = arith.constant 0 : i32
        %dma_start3A_426 = arith.constant 0 : i32
        %dma_start3A_427 = tpu.memref_slice %arg6[%dma_start3A_424, %dma_start3A_425, %dma_start3A_426] : memref<2x128x128xf32, #tpu.memory_space<vmem>> -> memref<1x128x128xf32, #tpu.memory_space<vmem>>
        %dma_start3A_428 = tpu.memref_squeeze %dma_start3A_427 : memref<1x128x128xf32, #tpu.memory_space<vmem>> -> memref<128x128xf32, #tpu.memory_space<vmem>>
        %dma_start3A_429 = arith.constant 0 : i32
        %dma_start3A_430 = tpu.memref_slice %arg5[%dma_start3A_422, %dma_start3A_423, %dma_start3A_429] : memref<4x2x128xi32, #tpu.memory_space<vmem>> -> memref<1x1x128xi32, #tpu.memory_space<vmem>>
        %dma_start3A_431 = tpu.memref_squeeze %dma_start3A_430 : memref<1x1x128xi32, #tpu.memory_space<vmem>> -> memref<128xi32, #tpu.memory_space<vmem>>
        %dma_start3A_432 = arith.constant 0 : i32
        %dma_start3A_433 = arith.constant 0 : i32
        %dma_start3A_434 = tpu.memref_slice %arg2[%dma_start3A_432, %dma_start3A_433] : memref<10000x128xf32, #tpu.memory_space<hbm>> -> memref<10000x128xf32, #tpu.memory_space<hbm>>
        tpu.enqueue_indirect_dma source(%dma_start3A_434 : memref<10000x128xf32, #tpu.memory_space<hbm>>) target(%dma_start3A_428 : memref<128x128xf32, #tpu.memory_space<vmem>>) offsets(%dma_start3A_431 : memref<128xi32, #tpu.memory_space<vmem>>) semaphore(%arg12 : memref<!tpu.dma_semaphore, #tpu.memory_space<semaphore_mem>>)
      } else {
      }
      %mul3A_243 = arith.constant 4 : i32
      %mul3A_244 = arith.muli %add3A_201, %mul3A_243 : i32
      %add3A_245 = arith.constant 1 : i32
      %add3A_246 = arith.addi %mul3A_244, %add3A_245 : i32
      %add3A_247 = arith.constant 2 : i32
      %add3A_248 = arith.addi %add3A_246, %add3A_247 : i32
      %lt3A_249 = arith.constant 80 : i32
      %lt3A_250 = arith.cmpi slt, %add3A_248, %lt3A_249 : i32
      %convert_element_type3A_251 = arith.extui %lt3A_250 : i1 to i32
      %cond3A_252 = arith.constant 0 : i32
      %cond3A_253 = arith.cmpi ne, %convert_element_type3A_251, %cond3A_252 : i32
      scf.if %cond3A_253 {
        %add3A_375 = arith.constant 2 : i32
        %add3A_376 = arith.addi %add3A_246, %add3A_375 : i32
        %mul3A_377 = arith.constant 32 : i32
        %mul3A_378 = arith.muli %add3A_376, %mul3A_377 : i32
        %add3A_379 = arith.addi %mul3A_378, %add3A : i32
        %mul3A_380 = arith.constant 128 : i32
        %mul3A_381 = arith.muli %add3A_379, %mul3A_380 : i32
        %multiple_of3A_382 = tpu.assume_multiple %mul3A_381, 128 : i32
        %dma_start3A_383 = arith.constant 0 : i32
        %dma_start3A_384 = arith.constant 3 : i32
        %dma_start3A_385 = arith.constant 0 : i32
        %dma_start3A_386 = arith.constant 0 : i32
        %dma_start3A_387 = tpu.memref_slice %arg5[%dma_start3A_384, %dma_start3A_385, %dma_start3A_386] : memref<4x2x128xi32, #tpu.memory_space<vmem>> -> memref<1x1x128xi32, #tpu.memory_space<vmem>>
        %dma_start3A_388 = tpu.memref_squeeze %dma_start3A_387 : memref<1x1x128xi32, #tpu.memory_space<vmem>> -> memref<128xi32, #tpu.memory_space<vmem>>
        %dma_start3A_389 = tpu.memref_slice %arg3[%dma_start3A_383, %multiple_of3A_382] : memref<2x327680xi32, #tpu.memory_space<hbm>> -> memref<1x128xi32, #tpu.memory_space<hbm>>
        %dma_start3A_390 = tpu.memref_squeeze %dma_start3A_389 : memref<1x128xi32, #tpu.memory_space<hbm>> -> memref<128xi32, #tpu.memory_space<hbm>>
        %dma_start3A_391 = arith.constant 0 : i32
        %dma_start3A_392 = tpu.memref_slice %arg5[%dma_start3A_384, %dma_start3A_385, %dma_start3A_391] : memref<4x2x128xi32, #tpu.memory_space<vmem>> -> memref<1x1x128xi32, #tpu.memory_space<vmem>>
        %dma_start3A_393 = tpu.memref_squeeze %dma_start3A_392 : memref<1x1x128xi32, #tpu.memory_space<vmem>> -> memref<128xi32, #tpu.memory_space<vmem>>
        %dma_start3A_394 = tpu.memref_slice %arg3[%dma_start3A_383, %multiple_of3A_382] : memref<2x327680xi32, #tpu.memory_space<hbm>> -> memref<1x128xi32, #tpu.memory_space<hbm>>
        %dma_start3A_395 = tpu.memref_squeeze %dma_start3A_394 : memref<1x128xi32, #tpu.memory_space<hbm>> -> memref<128xi32, #tpu.memory_space<hbm>>
        tpu.enqueue_dma source(%dma_start3A_395 : memref<128xi32, #tpu.memory_space<hbm>>) target(%dma_start3A_393 : memref<128xi32, #tpu.memory_space<vmem>>) target_semaphore(%arg11 : memref<!tpu.dma_semaphore, #tpu.memory_space<semaphore_mem>>)
        %dma_start3A_396 = arith.constant 1 : i32
        %dma_start3A_397 = arith.constant 3 : i32
        %dma_start3A_398 = arith.constant 1 : i32
        %dma_start3A_399 = arith.constant 0 : i32
        %dma_start3A_400 = tpu.memref_slice %arg5[%dma_start3A_397, %dma_start3A_398, %dma_start3A_399] : memref<4x2x128xi32, #tpu.memory_space<vmem>> -> memref<1x1x128xi32, #tpu.memory_space<vmem>>
        %dma_start3A_401 = tpu.memref_squeeze %dma_start3A_400 : memref<1x1x128xi32, #tpu.memory_space<vmem>> -> memref<128xi32, #tpu.memory_space<vmem>>
        %dma_start3A_402 = tpu.memref_slice %arg3[%dma_start3A_396, %multiple_of3A_382] : memref<2x327680xi32, #tpu.memory_space<hbm>> -> memref<1x128xi32, #tpu.memory_space<hbm>>
        %dma_start3A_403 = tpu.memref_squeeze %dma_start3A_402 : memref<1x128xi32, #tpu.memory_space<hbm>> -> memref<128xi32, #tpu.memory_space<hbm>>
        %dma_start3A_404 = arith.constant 0 : i32
        %dma_start3A_405 = tpu.memref_slice %arg5[%dma_start3A_397, %dma_start3A_398, %dma_start3A_404] : memref<4x2x128xi32, #tpu.memory_space<vmem>> -> memref<1x1x128xi32, #tpu.memory_space<vmem>>
        %dma_start3A_406 = tpu.memref_squeeze %dma_start3A_405 : memref<1x1x128xi32, #tpu.memory_space<vmem>> -> memref<128xi32, #tpu.memory_space<vmem>>
        %dma_start3A_407 = tpu.memref_slice %arg3[%dma_start3A_396, %multiple_of3A_382] : memref<2x327680xi32, #tpu.memory_space<hbm>> -> memref<1x128xi32, #tpu.memory_space<hbm>>
        %dma_start3A_408 = tpu.memref_squeeze %dma_start3A_407 : memref<1x128xi32, #tpu.memory_space<hbm>> -> memref<128xi32, #tpu.memory_space<hbm>>
        tpu.enqueue_dma source(%dma_start3A_408 : memref<128xi32, #tpu.memory_space<hbm>>) target(%dma_start3A_406 : memref<128xi32, #tpu.memory_space<vmem>>) target_semaphore(%arg11 : memref<!tpu.dma_semaphore, #tpu.memory_space<semaphore_mem>>)
      } else {
      }
      %dma_wait3A_254 = arith.constant 1 : i32
      %dma_wait3A_255 = arith.constant 0 : i32
      %dma_wait3A_256 = arith.constant 1 : i32
      %dma_wait3A_257 = arith.constant 0 : i32
      %dma_wait3A_258 = arith.constant 0 : i32
      %dma_wait3A_259 = tpu.memref_slice %arg6[%dma_wait3A_256, %dma_wait3A_257, %dma_wait3A_258] : memref<2x128x128xf32, #tpu.memory_space<vmem>> -> memref<1x128x128xf32, #tpu.memory_space<vmem>>
      %dma_wait3A_260 = tpu.memref_squeeze %dma_wait3A_259 : memref<1x128x128xf32, #tpu.memory_space<vmem>> -> memref<128x128xf32, #tpu.memory_space<vmem>>
      %dma_wait3A_261 = arith.constant 0 : i32
      %dma_wait3A_262 = tpu.memref_slice %arg5[%dma_wait3A_254, %dma_wait3A_255, %dma_wait3A_261] : memref<4x2x128xi32, #tpu.memory_space<vmem>> -> memref<1x1x128xi32, #tpu.memory_space<vmem>>
      %dma_wait3A_263 = tpu.memref_squeeze %dma_wait3A_262 : memref<1x1x128xi32, #tpu.memory_space<vmem>> -> memref<128xi32, #tpu.memory_space<vmem>>
      %dma_wait3A_264 = arith.constant 0 : i32
      %dma_wait3A_265 = arith.constant 0 : i32
      %dma_wait3A_266 = tpu.memref_slice %arg2[%dma_wait3A_264, %dma_wait3A_265] : memref<10000x128xf32, #tpu.memory_space<hbm>> -> memref<10000x128xf32, #tpu.memory_space<hbm>>
      tpu.wait_indirect_dma semaphore(%arg13 : memref<!tpu.dma_semaphore, #tpu.memory_space<semaphore_mem>>) src(%dma_wait3A_266 : memref<10000x128xf32, #tpu.memory_space<hbm>>) dst(%dma_wait3A_260 : memref<128x128xf32, #tpu.memory_space<vmem>>)
      %dma_start3A_267 = arith.constant 1 : i32
      %dma_start3A_268 = arith.constant 1 : i32
      %dma_start3A_269 = arith.constant 1 : i32
      %dma_start3A_270 = arith.constant 0 : i32
      %dma_start3A_271 = arith.constant 0 : i32
      %dma_start3A_272 = tpu.memref_slice %arg6[%dma_start3A_267, %dma_start3A_270, %dma_start3A_271] : memref<2x128x128xf32, #tpu.memory_space<vmem>> -> memref<1x128x128xf32, #tpu.memory_space<vmem>>
      %dma_start3A_273 = tpu.memref_squeeze %dma_start3A_272 : memref<1x128x128xf32, #tpu.memory_space<vmem>> -> memref<128x128xf32, #tpu.memory_space<vmem>>
      %dma_start3A_274 = arith.constant 0 : i32
      %dma_start3A_275 = tpu.memref_slice %arg5[%dma_start3A_268, %dma_start3A_269, %dma_start3A_274] : memref<4x2x128xi32, #tpu.memory_space<vmem>> -> memref<1x1x128xi32, #tpu.memory_space<vmem>>
      %dma_start3A_276 = tpu.memref_squeeze %dma_start3A_275 : memref<1x1x128xi32, #tpu.memory_space<vmem>> -> memref<128xi32, #tpu.memory_space<vmem>>
      %dma_start3A_277 = arith.constant 0 : i32
      %dma_start3A_278 = arith.constant 0 : i32
      %dma_start3A_279 = tpu.memref_slice %arg7[%dma_start3A_277, %dma_start3A_278] : memref<10240x128xf32, #tpu.memory_space<vmem_shared>> -> memref<10240x128xf32, #tpu.memory_space<vmem_shared>>
      tpu.enqueue_indirect_dma source(%dma_start3A_273 : memref<128x128xf32, #tpu.memory_space<vmem>>) target(%dma_start3A_279 : memref<10240x128xf32, #tpu.memory_space<vmem_shared>>) offsets(%dma_start3A_276 : memref<128xi32, #tpu.memory_space<vmem>>) semaphore(%arg15 : memref<!tpu.dma_semaphore, #tpu.memory_space<semaphore_mem>>) {add = true}
      %add3A_280 = arith.constant 2 : i32
      %add3A_281 = arith.addi %add3A_246, %add3A_280 : i32
      %lt3A_282 = arith.constant 80 : i32
      %lt3A_283 = arith.cmpi slt, %add3A_281, %lt3A_282 : i32
      %convert_element_type3A_284 = arith.extui %lt3A_283 : i1 to i32
      %cond3A_285 = arith.constant 0 : i32
      %cond3A_286 = arith.cmpi ne, %convert_element_type3A_284, %cond3A_285 : i32
      scf.if %cond3A_286 {
        %dma_wait3A_375 = arith.constant 1 : i32
        %dma_wait3A_376 = arith.constant 1 : i32
        %dma_wait3A_377 = arith.constant 1 : i32
        %dma_wait3A_378 = arith.constant 0 : i32
        %dma_wait3A_379 = arith.constant 0 : i32
        %dma_wait3A_380 = tpu.memref_slice %arg6[%dma_wait3A_375, %dma_wait3A_378, %dma_wait3A_379] : memref<2x128x128xf32, #tpu.memory_space<vmem>> -> memref<1x128x128xf32, #tpu.memory_space<vmem>>
        %dma_wait3A_381 = tpu.memref_squeeze %dma_wait3A_380 : memref<1x128x128xf32, #tpu.memory_space<vmem>> -> memref<128x128xf32, #tpu.memory_space<vmem>>
        %dma_wait3A_382 = arith.constant 0 : i32
        %dma_wait3A_383 = tpu.memref_slice %arg5[%dma_wait3A_376, %dma_wait3A_377, %dma_wait3A_382] : memref<4x2x128xi32, #tpu.memory_space<vmem>> -> memref<1x1x128xi32, #tpu.memory_space<vmem>>
        %dma_wait3A_384 = tpu.memref_squeeze %dma_wait3A_383 : memref<1x1x128xi32, #tpu.memory_space<vmem>> -> memref<128xi32, #tpu.memory_space<vmem>>
        %dma_wait3A_385 = arith.constant 0 : i32
        %dma_wait3A_386 = arith.constant 0 : i32
        %dma_wait3A_387 = tpu.memref_slice %arg7[%dma_wait3A_385, %dma_wait3A_386] : memref<10240x128xf32, #tpu.memory_space<vmem_shared>> -> memref<10240x128xf32, #tpu.memory_space<vmem_shared>>
        tpu.wait_indirect_dma semaphore(%arg15 : memref<!tpu.dma_semaphore, #tpu.memory_space<semaphore_mem>>) src(%dma_wait3A_381 : memref<128x128xf32, #tpu.memory_space<vmem>>) dst(%dma_wait3A_387 : memref<10240x128xf32, #tpu.memory_space<vmem_shared>>)
        %add3A_388 = arith.constant 2 : i32
        %add3A_389 = arith.addi %add3A_246, %add3A_388 : i32
        %mul3A_390 = arith.constant 32 : i32
        %mul3A_391 = arith.muli %add3A_389, %mul3A_390 : i32
        %add3A_392 = arith.addi %mul3A_391, %add3A : i32
        %mul3A_393 = arith.constant 128 : i32
        %mul3A_394 = arith.muli %add3A_392, %mul3A_393 : i32
        %multiple_of3A_395 = tpu.assume_multiple %mul3A_394, 128 : i32
        %dma_wait3A_396 = arith.constant 0 : i32
        %dma_wait3A_397 = arith.constant 3 : i32
        %dma_wait3A_398 = arith.constant 0 : i32
        %dma_wait3A_399 = arith.constant 0 : i32
        %dma_wait3A_400 = tpu.memref_slice %arg5[%dma_wait3A_397, %dma_wait3A_398, %dma_wait3A_399] : memref<4x2x128xi32, #tpu.memory_space<vmem>> -> memref<1x1x128xi32, #tpu.memory_space<vmem>>
        %dma_wait3A_401 = tpu.memref_squeeze %dma_wait3A_400 : memref<1x1x128xi32, #tpu.memory_space<vmem>> -> memref<128xi32, #tpu.memory_space<vmem>>
        %dma_wait3A_402 = tpu.memref_slice %arg3[%dma_wait3A_396, %multiple_of3A_395] : memref<2x327680xi32, #tpu.memory_space<hbm>> -> memref<1x128xi32, #tpu.memory_space<hbm>>
        %dma_wait3A_403 = tpu.memref_squeeze %dma_wait3A_402 : memref<1x128xi32, #tpu.memory_space<hbm>> -> memref<128xi32, #tpu.memory_space<hbm>>
        %dma_wait3A_404 = arith.constant 0 : i32
        %dma_wait3A_405 = tpu.memref_slice %arg5[%dma_wait3A_397, %dma_wait3A_398, %dma_wait3A_404] : memref<4x2x128xi32, #tpu.memory_space<vmem>> -> memref<1x1x128xi32, #tpu.memory_space<vmem>>
        %dma_wait3A_406 = tpu.memref_squeeze %dma_wait3A_405 : memref<1x1x128xi32, #tpu.memory_space<vmem>> -> memref<128xi32, #tpu.memory_space<vmem>>
        %dma_wait3A_407 = tpu.memref_slice %arg3[%dma_wait3A_396, %multiple_of3A_395] : memref<2x327680xi32, #tpu.memory_space<hbm>> -> memref<1x128xi32, #tpu.memory_space<hbm>>
        %dma_wait3A_408 = tpu.memref_squeeze %dma_wait3A_407 : memref<1x128xi32, #tpu.memory_space<hbm>> -> memref<128xi32, #tpu.memory_space<hbm>>
        tpu.wait_dma2 semaphore(%arg11 : memref<!tpu.dma_semaphore, #tpu.memory_space<semaphore_mem>>) src(%dma_wait3A_408 : memref<128xi32, #tpu.memory_space<hbm>>) dst(%dma_wait3A_406 : memref<128xi32, #tpu.memory_space<vmem>>)
        %dma_wait3A_409 = arith.constant 1 : i32
        %dma_wait3A_410 = arith.constant 3 : i32
        %dma_wait3A_411 = arith.constant 1 : i32
        %dma_wait3A_412 = arith.constant 0 : i32
        %dma_wait3A_413 = tpu.memref_slice %arg5[%dma_wait3A_410, %dma_wait3A_411, %dma_wait3A_412] : memref<4x2x128xi32, #tpu.memory_space<vmem>> -> memref<1x1x128xi32, #tpu.memory_space<vmem>>
        %dma_wait3A_414 = tpu.memref_squeeze %dma_wait3A_413 : memref<1x1x128xi32, #tpu.memory_space<vmem>> -> memref<128xi32, #tpu.memory_space<vmem>>
        %dma_wait3A_415 = tpu.memref_slice %arg3[%dma_wait3A_409, %multiple_of3A_395] : memref<2x327680xi32, #tpu.memory_space<hbm>> -> memref<1x128xi32, #tpu.memory_space<hbm>>
        %dma_wait3A_416 = tpu.memref_squeeze %dma_wait3A_415 : memref<1x128xi32, #tpu.memory_space<hbm>> -> memref<128xi32, #tpu.memory_space<hbm>>
        %dma_wait3A_417 = arith.constant 0 : i32
        %dma_wait3A_418 = tpu.memref_slice %arg5[%dma_wait3A_410, %dma_wait3A_411, %dma_wait3A_417] : memref<4x2x128xi32, #tpu.memory_space<vmem>> -> memref<1x1x128xi32, #tpu.memory_space<vmem>>
        %dma_wait3A_419 = tpu.memref_squeeze %dma_wait3A_418 : memref<1x1x128xi32, #tpu.memory_space<vmem>> -> memref<128xi32, #tpu.memory_space<vmem>>
        %dma_wait3A_420 = tpu.memref_slice %arg3[%dma_wait3A_409, %multiple_of3A_395] : memref<2x327680xi32, #tpu.memory_space<hbm>> -> memref<1x128xi32, #tpu.memory_space<hbm>>
        %dma_wait3A_421 = tpu.memref_squeeze %dma_wait3A_420 : memref<1x128xi32, #tpu.memory_space<hbm>> -> memref<128xi32, #tpu.memory_space<hbm>>
        tpu.wait_dma2 semaphore(%arg11 : memref<!tpu.dma_semaphore, #tpu.memory_space<semaphore_mem>>) src(%dma_wait3A_421 : memref<128xi32, #tpu.memory_space<hbm>>) dst(%dma_wait3A_419 : memref<128xi32, #tpu.memory_space<vmem>>)
        %dma_start3A_422 = arith.constant 3 : i32
        %dma_start3A_423 = arith.constant 0 : i32
        %dma_start3A_424 = arith.constant 1 : i32
        %dma_start3A_425 = arith.constant 0 : i32
        %dma_start3A_426 = arith.constant 0 : i32
        %dma_start3A_427 = tpu.memref_slice %arg6[%dma_start3A_424, %dma_start3A_425, %dma_start3A_426] : memref<2x128x128xf32, #tpu.memory_space<vmem>> -> memref<1x128x128xf32, #tpu.memory_space<vmem>>
        %dma_start3A_428 = tpu.memref_squeeze %dma_start3A_427 : memref<1x128x128xf32, #tpu.memory_space<vmem>> -> memref<128x128xf32, #tpu.memory_space<vmem>>
        %dma_start3A_429 = arith.constant 0 : i32
        %dma_start3A_430 = tpu.memref_slice %arg5[%dma_start3A_422, %dma_start3A_423, %dma_start3A_429] : memref<4x2x128xi32, #tpu.memory_space<vmem>> -> memref<1x1x128xi32, #tpu.memory_space<vmem>>
        %dma_start3A_431 = tpu.memref_squeeze %dma_start3A_430 : memref<1x1x128xi32, #tpu.memory_space<vmem>> -> memref<128xi32, #tpu.memory_space<vmem>>
        %dma_start3A_432 = arith.constant 0 : i32
        %dma_start3A_433 = arith.constant 0 : i32
        %dma_start3A_434 = tpu.memref_slice %arg2[%dma_start3A_432, %dma_start3A_433] : memref<10000x128xf32, #tpu.memory_space<hbm>> -> memref<10000x128xf32, #tpu.memory_space<hbm>>
        tpu.enqueue_indirect_dma source(%dma_start3A_434 : memref<10000x128xf32, #tpu.memory_space<hbm>>) target(%dma_start3A_428 : memref<128x128xf32, #tpu.memory_space<vmem>>) offsets(%dma_start3A_431 : memref<128xi32, #tpu.memory_space<vmem>>) semaphore(%arg13 : memref<!tpu.dma_semaphore, #tpu.memory_space<semaphore_mem>>)
      } else {
      }
      %mul3A_287 = arith.constant 4 : i32
      %mul3A_288 = arith.muli %add3A_201, %mul3A_287 : i32
      %add3A_289 = arith.constant 2 : i32
      %add3A_290 = arith.addi %mul3A_288, %add3A_289 : i32
      %add3A_291 = arith.constant 2 : i32
      %add3A_292 = arith.addi %add3A_290, %add3A_291 : i32
      %lt3A_293 = arith.constant 80 : i32
      %lt3A_294 = arith.cmpi slt, %add3A_292, %lt3A_293 : i32
      %convert_element_type3A_295 = arith.extui %lt3A_294 : i1 to i32
      %cond3A_296 = arith.constant 0 : i32
      %cond3A_297 = arith.cmpi ne, %convert_element_type3A_295, %cond3A_296 : i32
      scf.if %cond3A_297 {
        %add3A_375 = arith.constant 2 : i32
        %add3A_376 = arith.addi %add3A_290, %add3A_375 : i32
        %mul3A_377 = arith.constant 32 : i32
        %mul3A_378 = arith.muli %add3A_376, %mul3A_377 : i32
        %add3A_379 = arith.addi %mul3A_378, %add3A : i32
        %mul3A_380 = arith.constant 128 : i32
        %mul3A_381 = arith.muli %add3A_379, %mul3A_380 : i32
        %multiple_of3A_382 = tpu.assume_multiple %mul3A_381, 128 : i32
        %dma_start3A_383 = arith.constant 0 : i32
        %dma_start3A_384 = arith.constant 0 : i32
        %dma_start3A_385 = arith.constant 0 : i32
        %dma_start3A_386 = arith.constant 0 : i32
        %dma_start3A_387 = tpu.memref_slice %arg5[%dma_start3A_384, %dma_start3A_385, %dma_start3A_386] : memref<4x2x128xi32, #tpu.memory_space<vmem>> -> memref<1x1x128xi32, #tpu.memory_space<vmem>>
        %dma_start3A_388 = tpu.memref_squeeze %dma_start3A_387 : memref<1x1x128xi32, #tpu.memory_space<vmem>> -> memref<128xi32, #tpu.memory_space<vmem>>
        %dma_start3A_389 = tpu.memref_slice %arg3[%dma_start3A_383, %multiple_of3A_382] : memref<2x327680xi32, #tpu.memory_space<hbm>> -> memref<1x128xi32, #tpu.memory_space<hbm>>
        %dma_start3A_390 = tpu.memref_squeeze %dma_start3A_389 : memref<1x128xi32, #tpu.memory_space<hbm>> -> memref<128xi32, #tpu.memory_space<hbm>>
        %dma_start3A_391 = arith.constant 0 : i32
        %dma_start3A_392 = tpu.memref_slice %arg5[%dma_start3A_384, %dma_start3A_385, %dma_start3A_391] : memref<4x2x128xi32, #tpu.memory_space<vmem>> -> memref<1x1x128xi32, #tpu.memory_space<vmem>>
        %dma_start3A_393 = tpu.memref_squeeze %dma_start3A_392 : memref<1x1x128xi32, #tpu.memory_space<vmem>> -> memref<128xi32, #tpu.memory_space<vmem>>
        %dma_start3A_394 = tpu.memref_slice %arg3[%dma_start3A_383, %multiple_of3A_382] : memref<2x327680xi32, #tpu.memory_space<hbm>> -> memref<1x128xi32, #tpu.memory_space<hbm>>
        %dma_start3A_395 = tpu.memref_squeeze %dma_start3A_394 : memref<1x128xi32, #tpu.memory_space<hbm>> -> memref<128xi32, #tpu.memory_space<hbm>>
        tpu.enqueue_dma source(%dma_start3A_395 : memref<128xi32, #tpu.memory_space<hbm>>) target(%dma_start3A_393 : memref<128xi32, #tpu.memory_space<vmem>>) target_semaphore(%arg8 : memref<!tpu.dma_semaphore, #tpu.memory_space<semaphore_mem>>)
        %dma_start3A_396 = arith.constant 1 : i32
        %dma_start3A_397 = arith.constant 0 : i32
        %dma_start3A_398 = arith.constant 1 : i32
        %dma_start3A_399 = arith.constant 0 : i32
        %dma_start3A_400 = tpu.memref_slice %arg5[%dma_start3A_397, %dma_start3A_398, %dma_start3A_399] : memref<4x2x128xi32, #tpu.memory_space<vmem>> -> memref<1x1x128xi32, #tpu.memory_space<vmem>>
        %dma_start3A_401 = tpu.memref_squeeze %dma_start3A_400 : memref<1x1x128xi32, #tpu.memory_space<vmem>> -> memref<128xi32, #tpu.memory_space<vmem>>
        %dma_start3A_402 = tpu.memref_slice %arg3[%dma_start3A_396, %multiple_of3A_382] : memref<2x327680xi32, #tpu.memory_space<hbm>> -> memref<1x128xi32, #tpu.memory_space<hbm>>
        %dma_start3A_403 = tpu.memref_squeeze %dma_start3A_402 : memref<1x128xi32, #tpu.memory_space<hbm>> -> memref<128xi32, #tpu.memory_space<hbm>>
        %dma_start3A_404 = arith.constant 0 : i32
        %dma_start3A_405 = tpu.memref_slice %arg5[%dma_start3A_397, %dma_start3A_398, %dma_start3A_404] : memref<4x2x128xi32, #tpu.memory_space<vmem>> -> memref<1x1x128xi32, #tpu.memory_space<vmem>>
        %dma_start3A_406 = tpu.memref_squeeze %dma_start3A_405 : memref<1x1x128xi32, #tpu.memory_space<vmem>> -> memref<128xi32, #tpu.memory_space<vmem>>
        %dma_start3A_407 = tpu.memref_slice %arg3[%dma_start3A_396, %multiple_of3A_382] : memref<2x327680xi32, #tpu.memory_space<hbm>> -> memref<1x128xi32, #tpu.memory_space<hbm>>
        %dma_start3A_408 = tpu.memref_squeeze %dma_start3A_407 : memref<1x128xi32, #tpu.memory_space<hbm>> -> memref<128xi32, #tpu.memory_space<hbm>>
        tpu.enqueue_dma source(%dma_start3A_408 : memref<128xi32, #tpu.memory_space<hbm>>) target(%dma_start3A_406 : memref<128xi32, #tpu.memory_space<vmem>>) target_semaphore(%arg8 : memref<!tpu.dma_semaphore, #tpu.memory_space<semaphore_mem>>)
      } else {
      }
      %dma_wait3A_298 = arith.constant 2 : i32
      %dma_wait3A_299 = arith.constant 0 : i32
      %dma_wait3A_300 = arith.constant 0 : i32
      %dma_wait3A_301 = arith.constant 0 : i32
      %dma_wait3A_302 = arith.constant 0 : i32
      %dma_wait3A_303 = tpu.memref_slice %arg6[%dma_wait3A_300, %dma_wait3A_301, %dma_wait3A_302] : memref<2x128x128xf32, #tpu.memory_space<vmem>> -> memref<1x128x128xf32, #tpu.memory_space<vmem>>
      %dma_wait3A_304 = tpu.memref_squeeze %dma_wait3A_303 : memref<1x128x128xf32, #tpu.memory_space<vmem>> -> memref<128x128xf32, #tpu.memory_space<vmem>>
      %dma_wait3A_305 = arith.constant 0 : i32
      %dma_wait3A_306 = tpu.memref_slice %arg5[%dma_wait3A_298, %dma_wait3A_299, %dma_wait3A_305] : memref<4x2x128xi32, #tpu.memory_space<vmem>> -> memref<1x1x128xi32, #tpu.memory_space<vmem>>
      %dma_wait3A_307 = tpu.memref_squeeze %dma_wait3A_306 : memref<1x1x128xi32, #tpu.memory_space<vmem>> -> memref<128xi32, #tpu.memory_space<vmem>>
      %dma_wait3A_308 = arith.constant 0 : i32
      %dma_wait3A_309 = arith.constant 0 : i32
      %dma_wait3A_310 = tpu.memref_slice %arg2[%dma_wait3A_308, %dma_wait3A_309] : memref<10000x128xf32, #tpu.memory_space<hbm>> -> memref<10000x128xf32, #tpu.memory_space<hbm>>
      tpu.wait_indirect_dma semaphore(%arg12 : memref<!tpu.dma_semaphore, #tpu.memory_space<semaphore_mem>>) src(%dma_wait3A_310 : memref<10000x128xf32, #tpu.memory_space<hbm>>) dst(%dma_wait3A_304 : memref<128x128xf32, #tpu.memory_space<vmem>>)
      %dma_start3A_311 = arith.constant 0 : i32
      %dma_start3A_312 = arith.constant 2 : i32
      %dma_start3A_313 = arith.constant 1 : i32
      %dma_start3A_314 = arith.constant 0 : i32
      %dma_start3A_315 = arith.constant 0 : i32
      %dma_start3A_316 = tpu.memref_slice %arg6[%dma_start3A_311, %dma_start3A_314, %dma_start3A_315] : memref<2x128x128xf32, #tpu.memory_space<vmem>> -> memref<1x128x128xf32, #tpu.memory_space<vmem>>
      %dma_start3A_317 = tpu.memref_squeeze %dma_start3A_316 : memref<1x128x128xf32, #tpu.memory_space<vmem>> -> memref<128x128xf32, #tpu.memory_space<vmem>>
      %dma_start3A_318 = arith.constant 0 : i32
      %dma_start3A_319 = tpu.memref_slice %arg5[%dma_start3A_312, %dma_start3A_313, %dma_start3A_318] : memref<4x2x128xi32, #tpu.memory_space<vmem>> -> memref<1x1x128xi32, #tpu.memory_space<vmem>>
      %dma_start3A_320 = tpu.memref_squeeze %dma_start3A_319 : memref<1x1x128xi32, #tpu.memory_space<vmem>> -> memref<128xi32, #tpu.memory_space<vmem>>
      %dma_start3A_321 = arith.constant 0 : i32
      %dma_start3A_322 = arith.constant 0 : i32
      %dma_start3A_323 = tpu.memref_slice %arg7[%dma_start3A_321, %dma_start3A_322] : memref<10240x128xf32, #tpu.memory_space<vmem_shared>> -> memref<10240x128xf32, #tpu.memory_space<vmem_shared>>
      tpu.enqueue_indirect_dma source(%dma_start3A_317 : memref<128x128xf32, #tpu.memory_space<vmem>>) target(%dma_start3A_323 : memref<10240x128xf32, #tpu.memory_space<vmem_shared>>) offsets(%dma_start3A_320 : memref<128xi32, #tpu.memory_space<vmem>>) semaphore(%arg14 : memref<!tpu.dma_semaphore, #tpu.memory_space<semaphore_mem>>) {add = true}
      %add3A_324 = arith.constant 2 : i32
      %add3A_325 = arith.addi %add3A_290, %add3A_324 : i32
      %lt3A_326 = arith.constant 80 : i32
      %lt3A_327 = arith.cmpi slt, %add3A_325, %lt3A_326 : i32
      %convert_element_type3A_328 = arith.extui %lt3A_327 : i1 to i32
      %cond3A_329 = arith.constant 0 : i32
      %cond3A_330 = arith.cmpi ne, %convert_element_type3A_328, %cond3A_329 : i32
      scf.if %cond3A_330 {
        %dma_wait3A_375 = arith.constant 0 : i32
        %dma_wait3A_376 = arith.constant 2 : i32
        %dma_wait3A_377 = arith.constant 1 : i32
        %dma_wait3A_378 = arith.constant 0 : i32
        %dma_wait3A_379 = arith.constant 0 : i32
        %dma_wait3A_380 = tpu.memref_slice %arg6[%dma_wait3A_375, %dma_wait3A_378, %dma_wait3A_379] : memref<2x128x128xf32, #tpu.memory_space<vmem>> -> memref<1x128x128xf32, #tpu.memory_space<vmem>>
        %dma_wait3A_381 = tpu.memref_squeeze %dma_wait3A_380 : memref<1x128x128xf32, #tpu.memory_space<vmem>> -> memref<128x128xf32, #tpu.memory_space<vmem>>
        %dma_wait3A_382 = arith.constant 0 : i32
        %dma_wait3A_383 = tpu.memref_slice %arg5[%dma_wait3A_376, %dma_wait3A_377, %dma_wait3A_382] : memref<4x2x128xi32, #tpu.memory_space<vmem>> -> memref<1x1x128xi32, #tpu.memory_space<vmem>>
        %dma_wait3A_384 = tpu.memref_squeeze %dma_wait3A_383 : memref<1x1x128xi32, #tpu.memory_space<vmem>> -> memref<128xi32, #tpu.memory_space<vmem>>
        %dma_wait3A_385 = arith.constant 0 : i32
        %dma_wait3A_386 = arith.constant 0 : i32
        %dma_wait3A_387 = tpu.memref_slice %arg7[%dma_wait3A_385, %dma_wait3A_386] : memref<10240x128xf32, #tpu.memory_space<vmem_shared>> -> memref<10240x128xf32, #tpu.memory_space<vmem_shared>>
        tpu.wait_indirect_dma semaphore(%arg14 : memref<!tpu.dma_semaphore, #tpu.memory_space<semaphore_mem>>) src(%dma_wait3A_381 : memref<128x128xf32, #tpu.memory_space<vmem>>) dst(%dma_wait3A_387 : memref<10240x128xf32, #tpu.memory_space<vmem_shared>>)
        %add3A_388 = arith.constant 2 : i32
        %add3A_389 = arith.addi %add3A_290, %add3A_388 : i32
        %mul3A_390 = arith.constant 32 : i32
        %mul3A_391 = arith.muli %add3A_389, %mul3A_390 : i32
        %add3A_392 = arith.addi %mul3A_391, %add3A : i32
        %mul3A_393 = arith.constant 128 : i32
        %mul3A_394 = arith.muli %add3A_392, %mul3A_393 : i32
        %multiple_of3A_395 = tpu.assume_multiple %mul3A_394, 128 : i32
        %dma_wait3A_396 = arith.constant 0 : i32
        %dma_wait3A_397 = arith.constant 0 : i32
        %dma_wait3A_398 = arith.constant 0 : i32
        %dma_wait3A_399 = arith.constant 0 : i32
        %dma_wait3A_400 = tpu.memref_slice %arg5[%dma_wait3A_397, %dma_wait3A_398, %dma_wait3A_399] : memref<4x2x128xi32, #tpu.memory_space<vmem>> -> memref<1x1x128xi32, #tpu.memory_space<vmem>>
        %dma_wait3A_401 = tpu.memref_squeeze %dma_wait3A_400 : memref<1x1x128xi32, #tpu.memory_space<vmem>> -> memref<128xi32, #tpu.memory_space<vmem>>
        %dma_wait3A_402 = tpu.memref_slice %arg3[%dma_wait3A_396, %multiple_of3A_395] : memref<2x327680xi32, #tpu.memory_space<hbm>> -> memref<1x128xi32, #tpu.memory_space<hbm>>
        %dma_wait3A_403 = tpu.memref_squeeze %dma_wait3A_402 : memref<1x128xi32, #tpu.memory_space<hbm>> -> memref<128xi32, #tpu.memory_space<hbm>>
        %dma_wait3A_404 = arith.constant 0 : i32
        %dma_wait3A_405 = tpu.memref_slice %arg5[%dma_wait3A_397, %dma_wait3A_398, %dma_wait3A_404] : memref<4x2x128xi32, #tpu.memory_space<vmem>> -> memref<1x1x128xi32, #tpu.memory_space<vmem>>
        %dma_wait3A_406 = tpu.memref_squeeze %dma_wait3A_405 : memref<1x1x128xi32, #tpu.memory_space<vmem>> -> memref<128xi32, #tpu.memory_space<vmem>>
        %dma_wait3A_407 = tpu.memref_slice %arg3[%dma_wait3A_396, %multiple_of3A_395] : memref<2x327680xi32, #tpu.memory_space<hbm>> -> memref<1x128xi32, #tpu.memory_space<hbm>>
        %dma_wait3A_408 = tpu.memref_squeeze %dma_wait3A_407 : memref<1x128xi32, #tpu.memory_space<hbm>> -> memref<128xi32, #tpu.memory_space<hbm>>
        tpu.wait_dma2 semaphore(%arg8 : memref<!tpu.dma_semaphore, #tpu.memory_space<semaphore_mem>>) src(%dma_wait3A_408 : memref<128xi32, #tpu.memory_space<hbm>>) dst(%dma_wait3A_406 : memref<128xi32, #tpu.memory_space<vmem>>)
        %dma_wait3A_409 = arith.constant 1 : i32
        %dma_wait3A_410 = arith.constant 0 : i32
        %dma_wait3A_411 = arith.constant 1 : i32
        %dma_wait3A_412 = arith.constant 0 : i32
        %dma_wait3A_413 = tpu.memref_slice %arg5[%dma_wait3A_410, %dma_wait3A_411, %dma_wait3A_412] : memref<4x2x128xi32, #tpu.memory_space<vmem>> -> memref<1x1x128xi32, #tpu.memory_space<vmem>>
        %dma_wait3A_414 = tpu.memref_squeeze %dma_wait3A_413 : memref<1x1x128xi32, #tpu.memory_space<vmem>> -> memref<128xi32, #tpu.memory_space<vmem>>
        %dma_wait3A_415 = tpu.memref_slice %arg3[%dma_wait3A_409, %multiple_of3A_395] : memref<2x327680xi32, #tpu.memory_space<hbm>> -> memref<1x128xi32, #tpu.memory_space<hbm>>
        %dma_wait3A_416 = tpu.memref_squeeze %dma_wait3A_415 : memref<1x128xi32, #tpu.memory_space<hbm>> -> memref<128xi32, #tpu.memory_space<hbm>>
        %dma_wait3A_417 = arith.constant 0 : i32
        %dma_wait3A_418 = tpu.memref_slice %arg5[%dma_wait3A_410, %dma_wait3A_411, %dma_wait3A_417] : memref<4x2x128xi32, #tpu.memory_space<vmem>> -> memref<1x1x128xi32, #tpu.memory_space<vmem>>
        %dma_wait3A_419 = tpu.memref_squeeze %dma_wait3A_418 : memref<1x1x128xi32, #tpu.memory_space<vmem>> -> memref<128xi32, #tpu.memory_space<vmem>>
        %dma_wait3A_420 = tpu.memref_slice %arg3[%dma_wait3A_409, %multiple_of3A_395] : memref<2x327680xi32, #tpu.memory_space<hbm>> -> memref<1x128xi32, #tpu.memory_space<hbm>>
        %dma_wait3A_421 = tpu.memref_squeeze %dma_wait3A_420 : memref<1x128xi32, #tpu.memory_space<hbm>> -> memref<128xi32, #tpu.memory_space<hbm>>
        tpu.wait_dma2 semaphore(%arg8 : memref<!tpu.dma_semaphore, #tpu.memory_space<semaphore_mem>>) src(%dma_wait3A_421 : memref<128xi32, #tpu.memory_space<hbm>>) dst(%dma_wait3A_419 : memref<128xi32, #tpu.memory_space<vmem>>)
        %dma_start3A_422 = arith.constant 0 : i32
        %dma_start3A_423 = arith.constant 0 : i32
        %dma_start3A_424 = arith.constant 0 : i32
        %dma_start3A_425 = arith.constant 0 : i32
        %dma_start3A_426 = arith.constant 0 : i32
        %dma_start3A_427 = tpu.memref_slice %arg6[%dma_start3A_424, %dma_start3A_425, %dma_start3A_426] : memref<2x128x128xf32, #tpu.memory_space<vmem>> -> memref<1x128x128xf32, #tpu.memory_space<vmem>>
        %dma_start3A_428 = tpu.memref_squeeze %dma_start3A_427 : memref<1x128x128xf32, #tpu.memory_space<vmem>> -> memref<128x128xf32, #tpu.memory_space<vmem>>
        %dma_start3A_429 = arith.constant 0 : i32
        %dma_start3A_430 = tpu.memref_slice %arg5[%dma_start3A_422, %dma_start3A_423, %dma_start3A_429] : memref<4x2x128xi32, #tpu.memory_space<vmem>> -> memref<1x1x128xi32, #tpu.memory_space<vmem>>
        %dma_start3A_431 = tpu.memref_squeeze %dma_start3A_430 : memref<1x1x128xi32, #tpu.memory_space<vmem>> -> memref<128xi32, #tpu.memory_space<vmem>>
        %dma_start3A_432 = arith.constant 0 : i32
        %dma_start3A_433 = arith.constant 0 : i32
        %dma_start3A_434 = tpu.memref_slice %arg2[%dma_start3A_432, %dma_start3A_433] : memref<10000x128xf32, #tpu.memory_space<hbm>> -> memref<10000x128xf32, #tpu.memory_space<hbm>>
        tpu.enqueue_indirect_dma source(%dma_start3A_434 : memref<10000x128xf32, #tpu.memory_space<hbm>>) target(%dma_start3A_428 : memref<128x128xf32, #tpu.memory_space<vmem>>) offsets(%dma_start3A_431 : memref<128xi32, #tpu.memory_space<vmem>>) semaphore(%arg12 : memref<!tpu.dma_semaphore, #tpu.memory_space<semaphore_mem>>)
      } else {
      }
      %mul3A_331 = arith.constant 4 : i32
      %mul3A_332 = arith.muli %add3A_201, %mul3A_331 : i32
      %add3A_333 = arith.constant 3 : i32
      %add3A_334 = arith.addi %mul3A_332, %add3A_333 : i32
      %add3A_335 = arith.constant 2 : i32
      %add3A_336 = arith.addi %add3A_334, %add3A_335 : i32
      %lt3A_337 = arith.constant 80 : i32
      %lt3A_338 = arith.cmpi slt, %add3A_336, %lt3A_337 : i32
      %convert_element_type3A_339 = arith.extui %lt3A_338 : i1 to i32
      %cond3A_340 = arith.constant 0 : i32
      %cond3A_341 = arith.cmpi ne, %convert_element_type3A_339, %cond3A_340 : i32
      scf.if %cond3A_341 {
        %add3A_375 = arith.constant 2 : i32
        %add3A_376 = arith.addi %add3A_334, %add3A_375 : i32
        %mul3A_377 = arith.constant 32 : i32
        %mul3A_378 = arith.muli %add3A_376, %mul3A_377 : i32
        %add3A_379 = arith.addi %mul3A_378, %add3A : i32
        %mul3A_380 = arith.constant 128 : i32
        %mul3A_381 = arith.muli %add3A_379, %mul3A_380 : i32
        %multiple_of3A_382 = tpu.assume_multiple %mul3A_381, 128 : i32
        %dma_start3A_383 = arith.constant 0 : i32
        %dma_start3A_384 = arith.constant 1 : i32
        %dma_start3A_385 = arith.constant 0 : i32
        %dma_start3A_386 = arith.constant 0 : i32
        %dma_start3A_387 = tpu.memref_slice %arg5[%dma_start3A_384, %dma_start3A_385, %dma_start3A_386] : memref<4x2x128xi32, #tpu.memory_space<vmem>> -> memref<1x1x128xi32, #tpu.memory_space<vmem>>
        %dma_start3A_388 = tpu.memref_squeeze %dma_start3A_387 : memref<1x1x128xi32, #tpu.memory_space<vmem>> -> memref<128xi32, #tpu.memory_space<vmem>>
        %dma_start3A_389 = tpu.memref_slice %arg3[%dma_start3A_383, %multiple_of3A_382] : memref<2x327680xi32, #tpu.memory_space<hbm>> -> memref<1x128xi32, #tpu.memory_space<hbm>>
        %dma_start3A_390 = tpu.memref_squeeze %dma_start3A_389 : memref<1x128xi32, #tpu.memory_space<hbm>> -> memref<128xi32, #tpu.memory_space<hbm>>
        %dma_start3A_391 = arith.constant 0 : i32
        %dma_start3A_392 = tpu.memref_slice %arg5[%dma_start3A_384, %dma_start3A_385, %dma_start3A_391] : memref<4x2x128xi32, #tpu.memory_space<vmem>> -> memref<1x1x128xi32, #tpu.memory_space<vmem>>
        %dma_start3A_393 = tpu.memref_squeeze %dma_start3A_392 : memref<1x1x128xi32, #tpu.memory_space<vmem>> -> memref<128xi32, #tpu.memory_space<vmem>>
        %dma_start3A_394 = tpu.memref_slice %arg3[%dma_start3A_383, %multiple_of3A_382] : memref<2x327680xi32, #tpu.memory_space<hbm>> -> memref<1x128xi32, #tpu.memory_space<hbm>>
        %dma_start3A_395 = tpu.memref_squeeze %dma_start3A_394 : memref<1x128xi32, #tpu.memory_space<hbm>> -> memref<128xi32, #tpu.memory_space<hbm>>
        tpu.enqueue_dma source(%dma_start3A_395 : memref<128xi32, #tpu.memory_space<hbm>>) target(%dma_start3A_393 : memref<128xi32, #tpu.memory_space<vmem>>) target_semaphore(%arg9 : memref<!tpu.dma_semaphore, #tpu.memory_space<semaphore_mem>>)
        %dma_start3A_396 = arith.constant 1 : i32
        %dma_start3A_397 = arith.constant 1 : i32
        %dma_start3A_398 = arith.constant 1 : i32
        %dma_start3A_399 = arith.constant 0 : i32
        %dma_start3A_400 = tpu.memref_slice %arg5[%dma_start3A_397, %dma_start3A_398, %dma_start3A_399] : memref<4x2x128xi32, #tpu.memory_space<vmem>> -> memref<1x1x128xi32, #tpu.memory_space<vmem>>
        %dma_start3A_401 = tpu.memref_squeeze %dma_start3A_400 : memref<1x1x128xi32, #tpu.memory_space<vmem>> -> memref<128xi32, #tpu.memory_space<vmem>>
        %dma_start3A_402 = tpu.memref_slice %arg3[%dma_start3A_396, %multiple_of3A_382] : memref<2x327680xi32, #tpu.memory_space<hbm>> -> memref<1x128xi32, #tpu.memory_space<hbm>>
        %dma_start3A_403 = tpu.memref_squeeze %dma_start3A_402 : memref<1x128xi32, #tpu.memory_space<hbm>> -> memref<128xi32, #tpu.memory_space<hbm>>
        %dma_start3A_404 = arith.constant 0 : i32
        %dma_start3A_405 = tpu.memref_slice %arg5[%dma_start3A_397, %dma_start3A_398, %dma_start3A_404] : memref<4x2x128xi32, #tpu.memory_space<vmem>> -> memref<1x1x128xi32, #tpu.memory_space<vmem>>
        %dma_start3A_406 = tpu.memref_squeeze %dma_start3A_405 : memref<1x1x128xi32, #tpu.memory_space<vmem>> -> memref<128xi32, #tpu.memory_space<vmem>>
        %dma_start3A_407 = tpu.memref_slice %arg3[%dma_start3A_396, %multiple_of3A_382] : memref<2x327680xi32, #tpu.memory_space<hbm>> -> memref<1x128xi32, #tpu.memory_space<hbm>>
        %dma_start3A_408 = tpu.memref_squeeze %dma_start3A_407 : memref<1x128xi32, #tpu.memory_space<hbm>> -> memref<128xi32, #tpu.memory_space<hbm>>
        tpu.enqueue_dma source(%dma_start3A_408 : memref<128xi32, #tpu.memory_space<hbm>>) target(%dma_start3A_406 : memref<128xi32, #tpu.memory_space<vmem>>) target_semaphore(%arg9 : memref<!tpu.dma_semaphore, #tpu.memory_space<semaphore_mem>>)
      } else {
      }
      %dma_wait3A_342 = arith.constant 3 : i32
      %dma_wait3A_343 = arith.constant 0 : i32
      %dma_wait3A_344 = arith.constant 1 : i32
      %dma_wait3A_345 = arith.constant 0 : i32
      %dma_wait3A_346 = arith.constant 0 : i32
      %dma_wait3A_347 = tpu.memref_slice %arg6[%dma_wait3A_344, %dma_wait3A_345, %dma_wait3A_346] : memref<2x128x128xf32, #tpu.memory_space<vmem>> -> memref<1x128x128xf32, #tpu.memory_space<vmem>>
      %dma_wait3A_348 = tpu.memref_squeeze %dma_wait3A_347 : memref<1x128x128xf32, #tpu.memory_space<vmem>> -> memref<128x128xf32, #tpu.memory_space<vmem>>
      %dma_wait3A_349 = arith.constant 0 : i32
      %dma_wait3A_350 = tpu.memref_slice %arg5[%dma_wait3A_342, %dma_wait3A_343, %dma_wait3A_349] : memref<4x2x128xi32, #tpu.memory_space<vmem>> -> memref<1x1x128xi32, #tpu.memory_space<vmem>>
      %dma_wait3A_351 = tpu.memref_squeeze %dma_wait3A_350 : memref<1x1x128xi32, #tpu.memory_space<vmem>> -> memref<128xi32, #tpu.memory_space<vmem>>
      %dma_wait3A_352 = arith.constant 0 : i32
      %dma_wait3A_353 = arith.constant 0 : i32
      %dma_wait3A_354 = tpu.memref_slice %arg2[%dma_wait3A_352, %dma_wait3A_353] : memref<10000x128xf32, #tpu.memory_space<hbm>> -> memref<10000x128xf32, #tpu.memory_space<hbm>>
      tpu.wait_indirect_dma semaphore(%arg13 : memref<!tpu.dma_semaphore, #tpu.memory_space<semaphore_mem>>) src(%dma_wait3A_354 : memref<10000x128xf32, #tpu.memory_space<hbm>>) dst(%dma_wait3A_348 : memref<128x128xf32, #tpu.memory_space<vmem>>)
      %dma_start3A_355 = arith.constant 1 : i32
      %dma_start3A_356 = arith.constant 3 : i32
      %dma_start3A_357 = arith.constant 1 : i32
      %dma_start3A_358 = arith.constant 0 : i32
      %dma_start3A_359 = arith.constant 0 : i32
      %dma_start3A_360 = tpu.memref_slice %arg6[%dma_start3A_355, %dma_start3A_358, %dma_start3A_359] : memref<2x128x128xf32, #tpu.memory_space<vmem>> -> memref<1x128x128xf32, #tpu.memory_space<vmem>>
      %dma_start3A_361 = tpu.memref_squeeze %dma_start3A_360 : memref<1x128x128xf32, #tpu.memory_space<vmem>> -> memref<128x128xf32, #tpu.memory_space<vmem>>
      %dma_start3A_362 = arith.constant 0 : i32
      %dma_start3A_363 = tpu.memref_slice %arg5[%dma_start3A_356, %dma_start3A_357, %dma_start3A_362] : memref<4x2x128xi32, #tpu.memory_space<vmem>> -> memref<1x1x128xi32, #tpu.memory_space<vmem>>
      %dma_start3A_364 = tpu.memref_squeeze %dma_start3A_363 : memref<1x1x128xi32, #tpu.memory_space<vmem>> -> memref<128xi32, #tpu.memory_space<vmem>>
      %dma_start3A_365 = arith.constant 0 : i32
      %dma_start3A_366 = arith.constant 0 : i32
      %dma_start3A_367 = tpu.memref_slice %arg7[%dma_start3A_365, %dma_start3A_366] : memref<10240x128xf32, #tpu.memory_space<vmem_shared>> -> memref<10240x128xf32, #tpu.memory_space<vmem_shared>>
      tpu.enqueue_indirect_dma source(%dma_start3A_361 : memref<128x128xf32, #tpu.memory_space<vmem>>) target(%dma_start3A_367 : memref<10240x128xf32, #tpu.memory_space<vmem_shared>>) offsets(%dma_start3A_364 : memref<128xi32, #tpu.memory_space<vmem>>) semaphore(%arg15 : memref<!tpu.dma_semaphore, #tpu.memory_space<semaphore_mem>>) {add = true}
      %add3A_368 = arith.constant 2 : i32
      %add3A_369 = arith.addi %add3A_334, %add3A_368 : i32
      %lt3A_370 = arith.constant 80 : i32
      %lt3A_371 = arith.cmpi slt, %add3A_369, %lt3A_370 : i32
      %convert_element_type3A_372 = arith.extui %lt3A_371 : i1 to i32
      %cond3A_373 = arith.constant 0 : i32
      %cond3A_374 = arith.cmpi ne, %convert_element_type3A_372, %cond3A_373 : i32
      scf.if %cond3A_374 {
        %dma_wait3A_375 = arith.constant 1 : i32
        %dma_wait3A_376 = arith.constant 3 : i32
        %dma_wait3A_377 = arith.constant 1 : i32
        %dma_wait3A_378 = arith.constant 0 : i32
        %dma_wait3A_379 = arith.constant 0 : i32
        %dma_wait3A_380 = tpu.memref_slice %arg6[%dma_wait3A_375, %dma_wait3A_378, %dma_wait3A_379] : memref<2x128x128xf32, #tpu.memory_space<vmem>> -> memref<1x128x128xf32, #tpu.memory_space<vmem>>
        %dma_wait3A_381 = tpu.memref_squeeze %dma_wait3A_380 : memref<1x128x128xf32, #tpu.memory_space<vmem>> -> memref<128x128xf32, #tpu.memory_space<vmem>>
        %dma_wait3A_382 = arith.constant 0 : i32
        %dma_wait3A_383 = tpu.memref_slice %arg5[%dma_wait3A_376, %dma_wait3A_377, %dma_wait3A_382] : memref<4x2x128xi32, #tpu.memory_space<vmem>> -> memref<1x1x128xi32, #tpu.memory_space<vmem>>
        %dma_wait3A_384 = tpu.memref_squeeze %dma_wait3A_383 : memref<1x1x128xi32, #tpu.memory_space<vmem>> -> memref<128xi32, #tpu.memory_space<vmem>>
        %dma_wait3A_385 = arith.constant 0 : i32
        %dma_wait3A_386 = arith.constant 0 : i32
        %dma_wait3A_387 = tpu.memref_slice %arg7[%dma_wait3A_385, %dma_wait3A_386] : memref<10240x128xf32, #tpu.memory_space<vmem_shared>> -> memref<10240x128xf32, #tpu.memory_space<vmem_shared>>
        tpu.wait_indirect_dma semaphore(%arg15 : memref<!tpu.dma_semaphore, #tpu.memory_space<semaphore_mem>>) src(%dma_wait3A_381 : memref<128x128xf32, #tpu.memory_space<vmem>>) dst(%dma_wait3A_387 : memref<10240x128xf32, #tpu.memory_space<vmem_shared>>)
        %add3A_388 = arith.constant 2 : i32
        %add3A_389 = arith.addi %add3A_334, %add3A_388 : i32
        %mul3A_390 = arith.constant 32 : i32
        %mul3A_391 = arith.muli %add3A_389, %mul3A_390 : i32
        %add3A_392 = arith.addi %mul3A_391, %add3A : i32
        %mul3A_393 = arith.constant 128 : i32
        %mul3A_394 = arith.muli %add3A_392, %mul3A_393 : i32
        %multiple_of3A_395 = tpu.assume_multiple %mul3A_394, 128 : i32
        %dma_wait3A_396 = arith.constant 0 : i32
        %dma_wait3A_397 = arith.constant 1 : i32
        %dma_wait3A_398 = arith.constant 0 : i32
        %dma_wait3A_399 = arith.constant 0 : i32
        %dma_wait3A_400 = tpu.memref_slice %arg5[%dma_wait3A_397, %dma_wait3A_398, %dma_wait3A_399] : memref<4x2x128xi32, #tpu.memory_space<vmem>> -> memref<1x1x128xi32, #tpu.memory_space<vmem>>
        %dma_wait3A_401 = tpu.memref_squeeze %dma_wait3A_400 : memref<1x1x128xi32, #tpu.memory_space<vmem>> -> memref<128xi32, #tpu.memory_space<vmem>>
        %dma_wait3A_402 = tpu.memref_slice %arg3[%dma_wait3A_396, %multiple_of3A_395] : memref<2x327680xi32, #tpu.memory_space<hbm>> -> memref<1x128xi32, #tpu.memory_space<hbm>>
        %dma_wait3A_403 = tpu.memref_squeeze %dma_wait3A_402 : memref<1x128xi32, #tpu.memory_space<hbm>> -> memref<128xi32, #tpu.memory_space<hbm>>
        %dma_wait3A_404 = arith.constant 0 : i32
        %dma_wait3A_405 = tpu.memref_slice %arg5[%dma_wait3A_397, %dma_wait3A_398, %dma_wait3A_404] : memref<4x2x128xi32, #tpu.memory_space<vmem>> -> memref<1x1x128xi32, #tpu.memory_space<vmem>>
        %dma_wait3A_406 = tpu.memref_squeeze %dma_wait3A_405 : memref<1x1x128xi32, #tpu.memory_space<vmem>> -> memref<128xi32, #tpu.memory_space<vmem>>
        %dma_wait3A_407 = tpu.memref_slice %arg3[%dma_wait3A_396, %multiple_of3A_395] : memref<2x327680xi32, #tpu.memory_space<hbm>> -> memref<1x128xi32, #tpu.memory_space<hbm>>
        %dma_wait3A_408 = tpu.memref_squeeze %dma_wait3A_407 : memref<1x128xi32, #tpu.memory_space<hbm>> -> memref<128xi32, #tpu.memory_space<hbm>>
        tpu.wait_dma2 semaphore(%arg9 : memref<!tpu.dma_semaphore, #tpu.memory_space<semaphore_mem>>) src(%dma_wait3A_408 : memref<128xi32, #tpu.memory_space<hbm>>) dst(%dma_wait3A_406 : memref<128xi32, #tpu.memory_space<vmem>>)
        %dma_wait3A_409 = arith.constant 1 : i32
        %dma_wait3A_410 = arith.constant 1 : i32
        %dma_wait3A_411 = arith.constant 1 : i32
        %dma_wait3A_412 = arith.constant 0 : i32
        %dma_wait3A_413 = tpu.memref_slice %arg5[%dma_wait3A_410, %dma_wait3A_411, %dma_wait3A_412] : memref<4x2x128xi32, #tpu.memory_space<vmem>> -> memref<1x1x128xi32, #tpu.memory_space<vmem>>
        %dma_wait3A_414 = tpu.memref_squeeze %dma_wait3A_413 : memref<1x1x128xi32, #tpu.memory_space<vmem>> -> memref<128xi32, #tpu.memory_space<vmem>>
        %dma_wait3A_415 = tpu.memref_slice %arg3[%dma_wait3A_409, %multiple_of3A_395] : memref<2x327680xi32, #tpu.memory_space<hbm>> -> memref<1x128xi32, #tpu.memory_space<hbm>>
        %dma_wait3A_416 = tpu.memref_squeeze %dma_wait3A_415 : memref<1x128xi32, #tpu.memory_space<hbm>> -> memref<128xi32, #tpu.memory_space<hbm>>
        %dma_wait3A_417 = arith.constant 0 : i32
        %dma_wait3A_418 = tpu.memref_slice %arg5[%dma_wait3A_410, %dma_wait3A_411, %dma_wait3A_417] : memref<4x2x128xi32, #tpu.memory_space<vmem>> -> memref<1x1x128xi32, #tpu.memory_space<vmem>>
        %dma_wait3A_419 = tpu.memref_squeeze %dma_wait3A_418 : memref<1x1x128xi32, #tpu.memory_space<vmem>> -> memref<128xi32, #tpu.memory_space<vmem>>
        %dma_wait3A_420 = tpu.memref_slice %arg3[%dma_wait3A_409, %multiple_of3A_395] : memref<2x327680xi32, #tpu.memory_space<hbm>> -> memref<1x128xi32, #tpu.memory_space<hbm>>
        %dma_wait3A_421 = tpu.memref_squeeze %dma_wait3A_420 : memref<1x128xi32, #tpu.memory_space<hbm>> -> memref<128xi32, #tpu.memory_space<hbm>>
        tpu.wait_dma2 semaphore(%arg9 : memref<!tpu.dma_semaphore, #tpu.memory_space<semaphore_mem>>) src(%dma_wait3A_421 : memref<128xi32, #tpu.memory_space<hbm>>) dst(%dma_wait3A_419 : memref<128xi32, #tpu.memory_space<vmem>>)
        %dma_start3A_422 = arith.constant 1 : i32
        %dma_start3A_423 = arith.constant 0 : i32
        %dma_start3A_424 = arith.constant 1 : i32
        %dma_start3A_425 = arith.constant 0 : i32
        %dma_start3A_426 = arith.constant 0 : i32
        %dma_start3A_427 = tpu.memref_slice %arg6[%dma_start3A_424, %dma_start3A_425, %dma_start3A_426] : memref<2x128x128xf32, #tpu.memory_space<vmem>> -> memref<1x128x128xf32, #tpu.memory_space<vmem>>
        %dma_start3A_428 = tpu.memref_squeeze %dma_start3A_427 : memref<1x128x128xf32, #tpu.memory_space<vmem>> -> memref<128x128xf32, #tpu.memory_space<vmem>>
        %dma_start3A_429 = arith.constant 0 : i32
        %dma_start3A_430 = tpu.memref_slice %arg5[%dma_start3A_422, %dma_start3A_423, %dma_start3A_429] : memref<4x2x128xi32, #tpu.memory_space<vmem>> -> memref<1x1x128xi32, #tpu.memory_space<vmem>>
        %dma_start3A_431 = tpu.memref_squeeze %dma_start3A_430 : memref<1x1x128xi32, #tpu.memory_space<vmem>> -> memref<128xi32, #tpu.memory_space<vmem>>
        %dma_start3A_432 = arith.constant 0 : i32
        %dma_start3A_433 = arith.constant 0 : i32
        %dma_start3A_434 = tpu.memref_slice %arg2[%dma_start3A_432, %dma_start3A_433] : memref<10000x128xf32, #tpu.memory_space<hbm>> -> memref<10000x128xf32, #tpu.memory_space<hbm>>
        tpu.enqueue_indirect_dma source(%dma_start3A_434 : memref<10000x128xf32, #tpu.memory_space<hbm>>) target(%dma_start3A_428 : memref<128x128xf32, #tpu.memory_space<vmem>>) offsets(%dma_start3A_431 : memref<128xi32, #tpu.memory_space<vmem>>) semaphore(%arg13 : memref<!tpu.dma_semaphore, #tpu.memory_space<semaphore_mem>>)
      } else {
      }
    }
    %scan3A_164 = arith.constant 20 : i32
    %dma_wait3A_165 = arith.constant 0 : i32
    %dma_wait3A_166 = arith.constant 2 : i32
    %dma_wait3A_167 = arith.constant 1 : i32
    %dma_wait3A_168 = arith.constant 0 : i32
    %dma_wait3A_169 = arith.constant 0 : i32
    %dma_wait3A_170 = tpu.memref_slice %arg6[%dma_wait3A_165, %dma_wait3A_168, %dma_wait3A_169] : memref<2x128x128xf32, #tpu.memory_space<vmem>> -> memref<1x128x128xf32, #tpu.memory_space<vmem>>
    %dma_wait3A_171 = tpu.memref_squeeze %dma_wait3A_170 : memref<1x128x128xf32, #tpu.memory_space<vmem>> -> memref<128x128xf32, #tpu.memory_space<vmem>>
    %dma_wait3A_172 = arith.constant 0 : i32
    %dma_wait3A_173 = tpu.memref_slice %arg5[%dma_wait3A_166, %dma_wait3A_167, %dma_wait3A_172] : memref<4x2x128xi32, #tpu.memory_space<vmem>> -> memref<1x1x128xi32, #tpu.memory_space<vmem>>
    %dma_wait3A_174 = tpu.memref_squeeze %dma_wait3A_173 : memref<1x1x128xi32, #tpu.memory_space<vmem>> -> memref<128xi32, #tpu.memory_space<vmem>>
    %dma_wait3A_175 = arith.constant 0 : i32
    %dma_wait3A_176 = arith.constant 0 : i32
    %dma_wait3A_177 = tpu.memref_slice %arg7[%dma_wait3A_175, %dma_wait3A_176] : memref<10240x128xf32, #tpu.memory_space<vmem_shared>> -> memref<10240x128xf32, #tpu.memory_space<vmem_shared>>
    tpu.wait_indirect_dma semaphore(%arg14 : memref<!tpu.dma_semaphore, #tpu.memory_space<semaphore_mem>>) src(%dma_wait3A_171 : memref<128x128xf32, #tpu.memory_space<vmem>>) dst(%dma_wait3A_177 : memref<10240x128xf32, #tpu.memory_space<vmem_shared>>)
    %dma_wait3A_178 = arith.constant 1 : i32
    %dma_wait3A_179 = arith.constant 3 : i32
    %dma_wait3A_180 = arith.constant 1 : i32
    %dma_wait3A_181 = arith.constant 0 : i32
    %dma_wait3A_182 = arith.constant 0 : i32
    %dma_wait3A_183 = tpu.memref_slice %arg6[%dma_wait3A_178, %dma_wait3A_181, %dma_wait3A_182] : memref<2x128x128xf32, #tpu.memory_space<vmem>> -> memref<1x128x128xf32, #tpu.memory_space<vmem>>
    %dma_wait3A_184 = tpu.memref_squeeze %dma_wait3A_183 : memref<1x128x128xf32, #tpu.memory_space<vmem>> -> memref<128x128xf32, #tpu.memory_space<vmem>>
    %dma_wait3A_185 = arith.constant 0 : i32
    %dma_wait3A_186 = tpu.memref_slice %arg5[%dma_wait3A_179, %dma_wait3A_180, %dma_wait3A_185] : memref<4x2x128xi32, #tpu.memory_space<vmem>> -> memref<1x1x128xi32, #tpu.memory_space<vmem>>
    %dma_wait3A_187 = tpu.memref_squeeze %dma_wait3A_186 : memref<1x1x128xi32, #tpu.memory_space<vmem>> -> memref<128xi32, #tpu.memory_space<vmem>>
    %dma_wait3A_188 = arith.constant 0 : i32
    %dma_wait3A_189 = arith.constant 0 : i32
    %dma_wait3A_190 = tpu.memref_slice %arg7[%dma_wait3A_188, %dma_wait3A_189] : memref<10240x128xf32, #tpu.memory_space<vmem_shared>> -> memref<10240x128xf32, #tpu.memory_space<vmem_shared>>
    tpu.wait_indirect_dma semaphore(%arg15 : memref<!tpu.dma_semaphore, #tpu.memory_space<semaphore_mem>>) src(%dma_wait3A_184 : memref<128x128xf32, #tpu.memory_space<vmem>>) dst(%dma_wait3A_190 : memref<10240x128xf32, #tpu.memory_space<vmem_shared>>)
    %barrier3A_191 = arith.constant 0 : index
    tpu.barrier barrier_id(%barrier3A_191)
    %scan3A_192 = arith.constant 0 : i32
    %scan3A_193 = arith.constant 5 : i32
    %scan3A_194 = arith.addi %scan3A_192, %scan3A_193 : i32
    %scan3A_195 = arith.constant 1 : i32
    scf.for %scan3A_197 = %scan3A_192 to %scan3A_194 step %scan3A_195  : i32 {
      %mul3A_198 = arith.constant 1 : i32
      %mul3A_199 = arith.muli %scan3A_197, %mul3A_198 : i32
      %add3A_200 = arith.constant 0 : i32
      %add3A_201 = arith.addi %add3A_200, %mul3A_199 : i32
      %mul3A_202 = arith.constant 128 : i32
      %mul3A_203 = arith.muli %add3A_201, %mul3A_202 : i32
      %add3A_204 = arith.addi %multiple_of3A, %mul3A_203 : i32
      %multiple_of3A_205 = tpu.assume_multiple %add3A_204, 128 : i32
      "tpu.region"() ({
        %run_scoped3A = tpu.sem_alloc : memref<!tpu.dma_semaphore, #tpu.memory_space<semaphore_mem>>
        %dma_start3A_206 = arith.constant 0 : i32
        %dma_start3A_207 = tpu.memref_slice %arg4[%arg0, %multiple_of3A_205, %dma_start3A_206] : memref<2x10240x128xf32, #tpu.memory_space<hbm>> -> memref<1x128x128xf32, #tpu.memory_space<hbm>>
        %dma_start3A_208 = tpu.memref_squeeze %dma_start3A_207 : memref<1x128x128xf32, #tpu.memory_space<hbm>> -> memref<128x128xf32, #tpu.memory_space<hbm>>
        %dma_start3A_209 = arith.constant 0 : i32
        %dma_start3A_210 = tpu.memref_slice %arg7[%multiple_of3A_205, %dma_start3A_209] : memref<10240x128xf32, #tpu.memory_space<vmem_shared>> -> memref<128x128xf32, #tpu.memory_space<vmem_shared>>
        tpu.enqueue_dma source(%dma_start3A_210 : memref<128x128xf32, #tpu.memory_space<vmem_shared>>) target(%dma_start3A_208 : memref<128x128xf32, #tpu.memory_space<hbm>>) target_semaphore(%run_scoped3A : memref<!tpu.dma_semaphore, #tpu.memory_space<semaphore_mem>>)
        %dma_wait3A_211 = arith.constant 0 : i32
        %dma_wait3A_212 = tpu.memref_slice %arg4[%arg0, %multiple_of3A_205, %dma_wait3A_211] : memref<2x10240x128xf32, #tpu.memory_space<hbm>> -> memref<1x128x128xf32, #tpu.memory_space<hbm>>
        %dma_wait3A_213 = tpu.memref_squeeze %dma_wait3A_212 : memref<1x128x128xf32, #tpu.memory_space<hbm>> -> memref<128x128xf32, #tpu.memory_space<hbm>>
        %dma_wait3A_214 = arith.constant 0 : i32
        %dma_wait3A_215 = tpu.memref_slice %arg7[%multiple_of3A_205, %dma_wait3A_214] : memref<10240x128xf32, #tpu.memory_space<vmem_shared>> -> memref<128x128xf32, #tpu.memory_space<vmem_shared>>
        tpu.wait_dma2 semaphore(%run_scoped3A : memref<!tpu.dma_semaphore, #tpu.memory_space<semaphore_mem>>) src(%dma_wait3A_215 : memref<128x128xf32, #tpu.memory_space<vmem_shared>>) dst(%dma_wait3A_213 : memref<128x128xf32, #tpu.memory_space<hbm>>)
        tpu.yield
      }) : () -> ()
    }
    %scan3A_196 = arith.constant 5 : i32
    return
  }
}

#map = affine_map<(d0, d1) -> (0, 0)>
module attributes {stable_mosaic.version = 14 : i64} {
  func.func @k(%arg0: i32, %arg1: i32, %arg2: memref<2x327680xi32, #tpu.memory_space<hbm>>, %arg3: memref<2x10240xf32, #tpu.memory_space<hbm>>, %arg4: memref<80x128xi32, #tpu.memory_space<vmem>>, %arg5: memref<128xf32, #tpu.memory_space<vmem>>, %arg6: memref<640xf32, #tpu.memory_space<vmem>>, %arg7: memref<10240xf32, #tpu.memory_space<vmem_shared>>, %arg8: memref<!tpu.dma_semaphore, #tpu.memory_space<semaphore_mem>>, %arg9: memref<!tpu.dma_semaphore, #tpu.memory_space<semaphore_mem>>) attributes {dimension_semantics = [#tpu.dimension_semantics<core_parallel>, #tpu.dimension_semantics<subcore_parallel>], iteration_bounds = array<i64: 2, 16>, scalar_prefetch = 0 : i64, scratch_operands = 6 : i64, tpu.core_type = #tpu.core_type<sc_vector_subcore>, window_params = [{transform_indices = #map}, {transform_indices = #map}]} {
    %mul3A = arith.constant 16 : i32
    %mul3A_0 = arith.muli %arg0, %mul3A : i32
    %add3A = arith.addi %mul3A_0, %arg1 : i32
    %mul3A_1 = arith.constant 640 : i32
    %mul3A_2 = arith.muli %arg1, %mul3A_1 : i32
    %multiple_of3A = tpu.assume_multiple %mul3A_2, 128 : i32
    %scan3A = arith.constant 0 : i32
    %scan3A_3 = arith.constant 80 : i32
    %scan3A_4 = arith.addi %scan3A, %scan3A_3 : i32
    %scan3A_5 = arith.constant 1 : i32
    scf.for %scan3A_74 = %scan3A to %scan3A_4 step %scan3A_5  : i32 {
      %mul3A_75 = arith.constant 1 : i32
      %mul3A_76 = arith.muli %scan3A_74, %mul3A_75 : i32
      %add3A_77 = arith.constant 0 : i32
      %add3A_78 = arith.addi %add3A_77, %mul3A_76 : i32
      %mul3A_79 = arith.constant 32 : i32
      %mul3A_80 = arith.muli %add3A_78, %mul3A_79 : i32
      %add3A_81 = arith.addi %mul3A_80, %add3A : i32
      %mul3A_82 = arith.constant 128 : i32
      %mul3A_83 = arith.muli %add3A_81, %mul3A_82 : i32
      %multiple_of3A_84 = tpu.assume_multiple %mul3A_83, 128 : i32
      %dma_start3A = arith.constant 1 : i32
      %dma_start3A_85 = arith.constant 0 : i32
      %dma_start3A_86 = tpu.memref_slice %arg4[%add3A_78, %dma_start3A_85] : memref<80x128xi32, #tpu.memory_space<vmem>> -> memref<1x128xi32, #tpu.memory_space<vmem>>
      %dma_start3A_87 = tpu.memref_squeeze %dma_start3A_86 : memref<1x128xi32, #tpu.memory_space<vmem>> -> memref<128xi32, #tpu.memory_space<vmem>>
      %dma_start3A_88 = tpu.memref_slice %arg2[%dma_start3A, %multiple_of3A_84] : memref<2x327680xi32, #tpu.memory_space<hbm>> -> memref<1x128xi32, #tpu.memory_space<hbm>>
      %dma_start3A_89 = tpu.memref_squeeze %dma_start3A_88 : memref<1x128xi32, #tpu.memory_space<hbm>> -> memref<128xi32, #tpu.memory_space<hbm>>
      %dma_start3A_90 = arith.constant 0 : i32
      %dma_start3A_91 = tpu.memref_slice %arg4[%add3A_78, %dma_start3A_90] : memref<80x128xi32, #tpu.memory_space<vmem>> -> memref<1x128xi32, #tpu.memory_space<vmem>>
      %dma_start3A_92 = tpu.memref_squeeze %dma_start3A_91 : memref<1x128xi32, #tpu.memory_space<vmem>> -> memref<128xi32, #tpu.memory_space<vmem>>
      %dma_start3A_93 = tpu.memref_slice %arg2[%dma_start3A, %multiple_of3A_84] : memref<2x327680xi32, #tpu.memory_space<hbm>> -> memref<1x128xi32, #tpu.memory_space<hbm>>
      %dma_start3A_94 = tpu.memref_squeeze %dma_start3A_93 : memref<1x128xi32, #tpu.memory_space<hbm>> -> memref<128xi32, #tpu.memory_space<hbm>>
      tpu.enqueue_dma source(%dma_start3A_94 : memref<128xi32, #tpu.memory_space<hbm>>) target(%dma_start3A_92 : memref<128xi32, #tpu.memory_space<vmem>>) target_semaphore(%arg8 : memref<!tpu.dma_semaphore, #tpu.memory_space<semaphore_mem>>)
    }
    %scan3A_6 = arith.constant 80 : i32
    %scan3A_7 = arith.constant 0 : i32
    %scan3A_8 = arith.constant 40 : i32
    %scan3A_9 = arith.addi %scan3A_7, %scan3A_8 : i32
    %scan3A_10 = arith.constant 1 : i32
    scf.for %scan3A_74 = %scan3A_7 to %scan3A_9 step %scan3A_10  : i32 {
      %mul3A_75 = arith.constant 1 : i32
      %mul3A_76 = arith.muli %scan3A_74, %mul3A_75 : i32
      %add3A_77 = arith.constant 0 : i32
      %add3A_78 = arith.addi %add3A_77, %mul3A_76 : i32
      %broadcast_in_dim3A_79 = arith.constant 0.000000e+00 : f32
      %broadcast_in_dim3A_80 = vector.broadcast %broadcast_in_dim3A_79 : f32 to vector<16xf32>
      %mul3A_81 = arith.constant 16 : i32
      %mul3A_82 = arith.muli %add3A_78, %mul3A_81 : i32
      %swap3A_83 = arith.index_cast %mul3A_82 : i32 to index
      %swap3A_84 = tpu.vector_load %arg6[%swap3A_83] {strides = array<i32>} : memref<640xf32, #tpu.memory_space<vmem>>, vector<16xf32>,
      %swap3A_85 = vector.shape_cast %swap3A_84 : vector<16xf32> to vector<16xf32>
      %swap3A_86 = vector.shape_cast %broadcast_in_dim3A_80 : vector<16xf32> to vector<16xf32>
      tpu.vector_store %arg6[%swap3A_83], %swap3A_86 {strides = array<i32>} : memref<640xf32, #tpu.memory_space<vmem>>, vector<16xf32>,
    }
    %scan3A_11 = arith.constant 40 : i32
    "tpu.region"() ({
      %run_scoped3A = tpu.sem_alloc : memref<!tpu.dma_semaphore, #tpu.memory_space<semaphore_mem>>
      %dma_start3A = tpu.memref_slice %arg7[%multiple_of3A] : memref<10240xf32, #tpu.memory_space<vmem_shared>> -> memref<640xf32, #tpu.memory_space<vmem_shared>>
      %dma_start3A_74 = tpu.memref_slice %arg7[%multiple_of3A] : memref<10240xf32, #tpu.memory_space<vmem_shared>> -> memref<640xf32, #tpu.memory_space<vmem_shared>>
      tpu.enqueue_dma source(%arg6 : memref<640xf32, #tpu.memory_space<vmem>>) target(%dma_start3A_74 : memref<640xf32, #tpu.memory_space<vmem_shared>>) target_semaphore(%run_scoped3A : memref<!tpu.dma_semaphore, #tpu.memory_space<semaphore_mem>>)
      %dma_wait3A = tpu.memref_slice %arg7[%multiple_of3A] : memref<10240xf32, #tpu.memory_space<vmem_shared>> -> memref<640xf32, #tpu.memory_space<vmem_shared>>
      %dma_wait3A_75 = tpu.memref_slice %arg7[%multiple_of3A] : memref<10240xf32, #tpu.memory_space<vmem_shared>> -> memref<640xf32, #tpu.memory_space<vmem_shared>>
      tpu.wait_dma2 semaphore(%run_scoped3A : memref<!tpu.dma_semaphore, #tpu.memory_space<semaphore_mem>>) src(%arg6 : memref<640xf32, #tpu.memory_space<vmem>>) dst(%dma_wait3A_75 : memref<640xf32, #tpu.memory_space<vmem_shared>>)
      tpu.yield
    }) : () -> ()
    %broadcast_in_dim3A = arith.constant 1.000000e+00 : f32
    %broadcast_in_dim3A_12 = vector.broadcast %broadcast_in_dim3A : f32 to vector<16xf32>
    %swap3A = arith.constant 0 : index
    %swap3A_13 = tpu.vector_load %arg5[%swap3A] {strides = array<i32>} : memref<128xf32, #tpu.memory_space<vmem>>, vector<16xf32>,
    %swap3A_14 = vector.shape_cast %swap3A_13 : vector<16xf32> to vector<16xf32>
    %swap3A_15 = vector.shape_cast %broadcast_in_dim3A_12 : vector<16xf32> to vector<16xf32>
    tpu.vector_store %arg5[%swap3A], %swap3A_15 {strides = array<i32>} : memref<128xf32, #tpu.memory_space<vmem>>, vector<16xf32>,
    %broadcast_in_dim3A_16 = arith.constant 1.000000e+00 : f32
    %broadcast_in_dim3A_17 = vector.broadcast %broadcast_in_dim3A_16 : f32 to vector<16xf32>
    %swap3A_18 = arith.constant 16 : index
    %swap3A_19 = tpu.vector_load %arg5[%swap3A_18] {strides = array<i32>} : memref<128xf32, #tpu.memory_space<vmem>>, vector<16xf32>,
    %swap3A_20 = vector.shape_cast %swap3A_19 : vector<16xf32> to vector<16xf32>
    %swap3A_21 = vector.shape_cast %broadcast_in_dim3A_17 : vector<16xf32> to vector<16xf32>
    tpu.vector_store %arg5[%swap3A_18], %swap3A_21 {strides = array<i32>} : memref<128xf32, #tpu.memory_space<vmem>>, vector<16xf32>,
    %broadcast_in_dim3A_22 = arith.constant 1.000000e+00 : f32
    %broadcast_in_dim3A_23 = vector.broadcast %broadcast_in_dim3A_22 : f32 to vector<16xf32>
    %swap3A_24 = arith.constant 32 : index
    %swap3A_25 = tpu.vector_load %arg5[%swap3A_24] {strides = array<i32>} : memref<128xf32, #tpu.memory_space<vmem>>, vector<16xf32>,
    %swap3A_26 = vector.shape_cast %swap3A_25 : vector<16xf32> to vector<16xf32>
    %swap3A_27 = vector.shape_cast %broadcast_in_dim3A_23 : vector<16xf32> to vector<16xf32>
    tpu.vector_store %arg5[%swap3A_24], %swap3A_27 {strides = array<i32>} : memref<128xf32, #tpu.memory_space<vmem>>, vector<16xf32>,
    %broadcast_in_dim3A_28 = arith.constant 1.000000e+00 : f32
    %broadcast_in_dim3A_29 = vector.broadcast %broadcast_in_dim3A_28 : f32 to vector<16xf32>
    %swap3A_30 = arith.constant 48 : index
    %swap3A_31 = tpu.vector_load %arg5[%swap3A_30] {strides = array<i32>} : memref<128xf32, #tpu.memory_space<vmem>>, vector<16xf32>,
    %swap3A_32 = vector.shape_cast %swap3A_31 : vector<16xf32> to vector<16xf32>
    %swap3A_33 = vector.shape_cast %broadcast_in_dim3A_29 : vector<16xf32> to vector<16xf32>
    tpu.vector_store %arg5[%swap3A_30], %swap3A_33 {strides = array<i32>} : memref<128xf32, #tpu.memory_space<vmem>>, vector<16xf32>,
    %broadcast_in_dim3A_34 = arith.constant 1.000000e+00 : f32
    %broadcast_in_dim3A_35 = vector.broadcast %broadcast_in_dim3A_34 : f32 to vector<16xf32>
    %swap3A_36 = arith.constant 64 : index
    %swap3A_37 = tpu.vector_load %arg5[%swap3A_36] {strides = array<i32>} : memref<128xf32, #tpu.memory_space<vmem>>, vector<16xf32>,
    %swap3A_38 = vector.shape_cast %swap3A_37 : vector<16xf32> to vector<16xf32>
    %swap3A_39 = vector.shape_cast %broadcast_in_dim3A_35 : vector<16xf32> to vector<16xf32>
    tpu.vector_store %arg5[%swap3A_36], %swap3A_39 {strides = array<i32>} : memref<128xf32, #tpu.memory_space<vmem>>, vector<16xf32>,
    %broadcast_in_dim3A_40 = arith.constant 1.000000e+00 : f32
    %broadcast_in_dim3A_41 = vector.broadcast %broadcast_in_dim3A_40 : f32 to vector<16xf32>
    %swap3A_42 = arith.constant 80 : index
    %swap3A_43 = tpu.vector_load %arg5[%swap3A_42] {strides = array<i32>} : memref<128xf32, #tpu.memory_space<vmem>>, vector<16xf32>,
    %swap3A_44 = vector.shape_cast %swap3A_43 : vector<16xf32> to vector<16xf32>
    %swap3A_45 = vector.shape_cast %broadcast_in_dim3A_41 : vector<16xf32> to vector<16xf32>
    tpu.vector_store %arg5[%swap3A_42], %swap3A_45 {strides = array<i32>} : memref<128xf32, #tpu.memory_space<vmem>>, vector<16xf32>,
    %broadcast_in_dim3A_46 = arith.constant 1.000000e+00 : f32
    %broadcast_in_dim3A_47 = vector.broadcast %broadcast_in_dim3A_46 : f32 to vector<16xf32>
    %swap3A_48 = arith.constant 96 : index
    %swap3A_49 = tpu.vector_load %arg5[%swap3A_48] {strides = array<i32>} : memref<128xf32, #tpu.memory_space<vmem>>, vector<16xf32>,
    %swap3A_50 = vector.shape_cast %swap3A_49 : vector<16xf32> to vector<16xf32>
    %swap3A_51 = vector.shape_cast %broadcast_in_dim3A_47 : vector<16xf32> to vector<16xf32>
    tpu.vector_store %arg5[%swap3A_48], %swap3A_51 {strides = array<i32>} : memref<128xf32, #tpu.memory_space<vmem>>, vector<16xf32>,
    %broadcast_in_dim3A_52 = arith.constant 1.000000e+00 : f32
    %broadcast_in_dim3A_53 = vector.broadcast %broadcast_in_dim3A_52 : f32 to vector<16xf32>
    %swap3A_54 = arith.constant 112 : index
    %swap3A_55 = tpu.vector_load %arg5[%swap3A_54] {strides = array<i32>} : memref<128xf32, #tpu.memory_space<vmem>>, vector<16xf32>,
    %swap3A_56 = vector.shape_cast %swap3A_55 : vector<16xf32> to vector<16xf32>
    %swap3A_57 = vector.shape_cast %broadcast_in_dim3A_53 : vector<16xf32> to vector<16xf32>
    tpu.vector_store %arg5[%swap3A_54], %swap3A_57 {strides = array<i32>} : memref<128xf32, #tpu.memory_space<vmem>>, vector<16xf32>,
    %scan3A_58 = arith.constant 0 : i32
    %scan3A_59 = arith.constant 80 : i32
    %scan3A_60 = arith.addi %scan3A_58, %scan3A_59 : i32
    %scan3A_61 = arith.constant 1 : i32
    scf.for %scan3A_74 = %scan3A_58 to %scan3A_60 step %scan3A_61  : i32 {
      %mul3A_75 = arith.constant 1 : i32
      %mul3A_76 = arith.muli %scan3A_74, %mul3A_75 : i32
      %add3A_77 = arith.constant 0 : i32
      %add3A_78 = arith.addi %add3A_77, %mul3A_76 : i32
      %mul3A_79 = arith.constant 32 : i32
      %mul3A_80 = arith.muli %add3A_78, %mul3A_79 : i32
      %add3A_81 = arith.addi %mul3A_80, %add3A : i32
      %mul3A_82 = arith.constant 128 : i32
      %mul3A_83 = arith.muli %add3A_81, %mul3A_82 : i32
      %multiple_of3A_84 = tpu.assume_multiple %mul3A_83, 128 : i32
      %dma_wait3A = arith.constant 1 : i32
      %dma_wait3A_85 = arith.constant 0 : i32
      %dma_wait3A_86 = tpu.memref_slice %arg4[%add3A_78, %dma_wait3A_85] : memref<80x128xi32, #tpu.memory_space<vmem>> -> memref<1x128xi32, #tpu.memory_space<vmem>>
      %dma_wait3A_87 = tpu.memref_squeeze %dma_wait3A_86 : memref<1x128xi32, #tpu.memory_space<vmem>> -> memref<128xi32, #tpu.memory_space<vmem>>
      %dma_wait3A_88 = tpu.memref_slice %arg2[%dma_wait3A, %multiple_of3A_84] : memref<2x327680xi32, #tpu.memory_space<hbm>> -> memref<1x128xi32, #tpu.memory_space<hbm>>
      %dma_wait3A_89 = tpu.memref_squeeze %dma_wait3A_88 : memref<1x128xi32, #tpu.memory_space<hbm>> -> memref<128xi32, #tpu.memory_space<hbm>>
      %dma_wait3A_90 = arith.constant 0 : i32
      %dma_wait3A_91 = tpu.memref_slice %arg4[%add3A_78, %dma_wait3A_90] : memref<80x128xi32, #tpu.memory_space<vmem>> -> memref<1x128xi32, #tpu.memory_space<vmem>>
      %dma_wait3A_92 = tpu.memref_squeeze %dma_wait3A_91 : memref<1x128xi32, #tpu.memory_space<vmem>> -> memref<128xi32, #tpu.memory_space<vmem>>
      %dma_wait3A_93 = tpu.memref_slice %arg2[%dma_wait3A, %multiple_of3A_84] : memref<2x327680xi32, #tpu.memory_space<hbm>> -> memref<1x128xi32, #tpu.memory_space<hbm>>
      %dma_wait3A_94 = tpu.memref_squeeze %dma_wait3A_93 : memref<1x128xi32, #tpu.memory_space<hbm>> -> memref<128xi32, #tpu.memory_space<hbm>>
      tpu.wait_dma2 semaphore(%arg8 : memref<!tpu.dma_semaphore, #tpu.memory_space<semaphore_mem>>) src(%dma_wait3A_94 : memref<128xi32, #tpu.memory_space<hbm>>) dst(%dma_wait3A_92 : memref<128xi32, #tpu.memory_space<vmem>>)
    }
    %scan3A_62 = arith.constant 80 : i32
    %barrier3A = arith.constant 0 : index
    tpu.barrier barrier_id(%barrier3A)
    %scan3A_63 = arith.constant 0 : i32
    %scan3A_64 = arith.constant 80 : i32
    %scan3A_65 = arith.addi %scan3A_63, %scan3A_64 : i32
    %scan3A_66 = arith.constant 1 : i32
    scf.for %scan3A_74 = %scan3A_63 to %scan3A_65 step %scan3A_66  : i32 {
      %mul3A_75 = arith.constant 1 : i32
      %mul3A_76 = arith.muli %scan3A_74, %mul3A_75 : i32
      %add3A_77 = arith.constant 0 : i32
      %add3A_78 = arith.addi %add3A_77, %mul3A_76 : i32
      %dma_start3A = arith.constant 0 : i32
      %dma_start3A_79 = tpu.memref_slice %arg4[%add3A_78, %dma_start3A] : memref<80x128xi32, #tpu.memory_space<vmem>> -> memref<1x128xi32, #tpu.memory_space<vmem>>
      %dma_start3A_80 = tpu.memref_squeeze %dma_start3A_79 : memref<1x128xi32, #tpu.memory_space<vmem>> -> memref<128xi32, #tpu.memory_space<vmem>>
      %dma_start3A_81 = arith.constant 0 : i32
      %dma_start3A_82 = tpu.memref_slice %arg7[%dma_start3A_81] : memref<10240xf32, #tpu.memory_space<vmem_shared>> -> memref<10240xf32, #tpu.memory_space<vmem_shared>>
      tpu.enqueue_indirect_dma source(%arg5 : memref<128xf32, #tpu.memory_space<vmem>>) target(%dma_start3A_82 : memref<10240xf32, #tpu.memory_space<vmem_shared>>) offsets(%dma_start3A_80 : memref<128xi32, #tpu.memory_space<vmem>>) semaphore(%arg9 : memref<!tpu.dma_semaphore, #tpu.memory_space<semaphore_mem>>) {add = true}
    }
    %scan3A_67 = arith.constant 80 : i32
    %scan3A_68 = arith.constant 0 : i32
    %scan3A_69 = arith.constant 80 : i32
    %scan3A_70 = arith.addi %scan3A_68, %scan3A_69 : i32
    %scan3A_71 = arith.constant 1 : i32
    scf.for %scan3A_74 = %scan3A_68 to %scan3A_70 step %scan3A_71  : i32 {
      %mul3A_75 = arith.constant 1 : i32
      %mul3A_76 = arith.muli %scan3A_74, %mul3A_75 : i32
      %add3A_77 = arith.constant 0 : i32
      %add3A_78 = arith.addi %add3A_77, %mul3A_76 : i32
      %dma_wait3A = arith.constant 0 : i32
      %dma_wait3A_79 = tpu.memref_slice %arg4[%add3A_78, %dma_wait3A] : memref<80x128xi32, #tpu.memory_space<vmem>> -> memref<1x128xi32, #tpu.memory_space<vmem>>
      %dma_wait3A_80 = tpu.memref_squeeze %dma_wait3A_79 : memref<1x128xi32, #tpu.memory_space<vmem>> -> memref<128xi32, #tpu.memory_space<vmem>>
      %dma_wait3A_81 = arith.constant 0 : i32
      %dma_wait3A_82 = tpu.memref_slice %arg7[%dma_wait3A_81] : memref<10240xf32, #tpu.memory_space<vmem_shared>> -> memref<10240xf32, #tpu.memory_space<vmem_shared>>
      tpu.wait_indirect_dma semaphore(%arg9 : memref<!tpu.dma_semaphore, #tpu.memory_space<semaphore_mem>>) src(%arg5 : memref<128xf32, #tpu.memory_space<vmem>>) dst(%dma_wait3A_82 : memref<10240xf32, #tpu.memory_space<vmem_shared>>)
    }
    %scan3A_72 = arith.constant 80 : i32
    %barrier3A_73 = arith.constant 0 : index
    tpu.barrier barrier_id(%barrier3A_73)
    "tpu.region"() ({
      %run_scoped3A = tpu.sem_alloc : memref<!tpu.dma_semaphore, #tpu.memory_space<semaphore_mem>>
      %dma_start3A = tpu.memref_slice %arg3[%arg0, %multiple_of3A] : memref<2x10240xf32, #tpu.memory_space<hbm>> -> memref<1x640xf32, #tpu.memory_space<hbm>>
      %dma_start3A_74 = tpu.memref_squeeze %dma_start3A : memref<1x640xf32, #tpu.memory_space<hbm>> -> memref<640xf32, #tpu.memory_space<hbm>>
      %dma_start3A_75 = tpu.memref_slice %arg7[%multiple_of3A] : memref<10240xf32, #tpu.memory_space<vmem_shared>> -> memref<640xf32, #tpu.memory_space<vmem_shared>>
      tpu.enqueue_dma source(%dma_start3A_75 : memref<640xf32, #tpu.memory_space<vmem_shared>>) target(%dma_start3A_74 : memref<640xf32, #tpu.memory_space<hbm>>) target_semaphore(%run_scoped3A : memref<!tpu.dma_semaphore, #tpu.memory_space<semaphore_mem>>)
      %dma_wait3A = tpu.memref_slice %arg3[%arg0, %multiple_of3A] : memref<2x10240xf32, #tpu.memory_space<hbm>> -> memref<1x640xf32, #tpu.memory_space<hbm>>
      %dma_wait3A_76 = tpu.memref_squeeze %dma_wait3A : memref<1x640xf32, #tpu.memory_space<hbm>> -> memref<640xf32, #tpu.memory_space<hbm>>
      %dma_wait3A_77 = tpu.memref_slice %arg7[%multiple_of3A] : memref<10240xf32, #tpu.memory_space<vmem_shared>> -> memref<640xf32, #tpu.memory_space<vmem_shared>>
      tpu.wait_dma2 semaphore(%run_scoped3A : memref<!tpu.dma_semaphore, #tpu.memory_space<semaphore_mem>>) src(%dma_wait3A_77 : memref<640xf32, #tpu.memory_space<vmem_shared>>) dst(%dma_wait3A_76 : memref<640xf32, #tpu.memory_space<hbm>>)
      tpu.yield
    }) : () -> ()
    return
  }
}

module attributes {stable_mosaic.version = 14 : i64} {
  func.func @body(%arg0: i32, %arg1: memref<2000x128xf32, #tpu.memory_space<vmem>>, %arg2: memref<128x128xf32, #tpu.memory_space<vmem>>, %arg3: memref<2000x128xf32, #tpu.memory_space<vmem>>) attributes {dimension_semantics = [#tpu.dimension_semantics<arbitrary>], iteration_bounds = array<i64: 5>, scalar_prefetch = 0 : i64, scratch_operands = 0 : i64, tpu.core_type = #tpu.core_type<tc>, window_params = [{transform_indices = @transform_0, window_bounds = array<i64: 2000, 128>}, {pipeline_mode = #tpu.pipeline_mode<synchronous>, transform_indices = @transform_1, window_bounds = array<i64: 128, 128>}, {transform_indices = @transform_2, window_bounds = array<i64: 2000, 128>}]} {
    %get3A = arith.constant 0 : index
    %get3A_0 = arith.constant 0 : index
    %get3A_1 = vector.load %arg1[%get3A, %get3A_0] : memref<2000x128xf32, #tpu.memory_space<vmem>>, vector<2000x128xf32>
    %get3A_2 = arith.constant 0 : index
    %get3A_3 = arith.constant 0 : index
    %get3A_4 = vector.load %arg2[%get3A_2, %get3A_3] : memref<128x128xf32, #tpu.memory_space<vmem>>, vector<128x128xf32>
    %dot_general3A = arith.constant dense<0.000000e+00> : vector<2000x128xf32>
    %dot_general3A_5 = tpu.matmul %get3A_1, %get3A_4, %dot_general3A {dimension_numbers = #tpu.dot_dimension_numbers<[1], [0], [0], [1], [0, 0, 1, 1], [], []>, transpose_lhs_hint = false} : vector<2000x128xf32>, vector<128x128xf32>, vector<2000x128xf32> -> vector<2000x128xf32>
    %swap3A = arith.constant 0 : index
    %swap3A_6 = arith.constant 0 : index
    %swap3A_7 = vector.load %arg3[%swap3A, %swap3A_6] : memref<2000x128xf32, #tpu.memory_space<vmem>>, vector<2000x128xf32>
    tpu.vector_store %arg3[%swap3A, %swap3A_6], %dot_general3A_5 {strides = array<i32>} : memref<2000x128xf32, #tpu.memory_space<vmem>>, vector<2000x128xf32>,
    return
  }
  func.func @transform_0(%arg0: i32) -> (i32, i32) {
    %c0_i32 = arith.constant 0 : i32
    %c0_i32_0 = arith.constant 0 : i32
    return %arg0, %c0_i32 : i32, i32
  }
  func.func @transform_1(%arg0: i32) -> (i32, i32) {
    %c0_i32 = arith.constant 0 : i32
    %c0_i32_0 = arith.constant 0 : i32
    %c0_i32_1 = arith.constant 0 : i32
    return %c0_i32, %c0_i32_0 : i32, i32
  }
  func.func @transform_2(%arg0: i32) -> (i32, i32) {
    %c0_i32 = arith.constant 0 : i32
    %c0_i32_0 = arith.constant 0 : i32
    return %arg0, %c0_i32 : i32, i32
  }
}

module attributes {stable_mosaic.version = 14 : i64} {
  func.func @body(%arg0: i32, %arg1: memref<10000x128xf32, #tpu.memory_space<vmem>>, %arg2: memref<10000x1xf32, #tpu.memory_space<vmem>>, %arg3: memref<10000x128xf32, #tpu.memory_space<vmem>>, %arg4: memref<10000x1xf32, #tpu.memory_space<vmem>>) attributes {dimension_semantics = [#tpu.dimension_semantics<arbitrary>], iteration_bounds = array<i64: 1>, scalar_prefetch = 0 : i64, scratch_operands = 0 : i64, tpu.core_type = #tpu.core_type<tc>, window_params = [{pipeline_mode = #tpu.pipeline_mode<synchronous>, transform_indices = @transform_0, window_bounds = array<i64: 10000, 128>}, {transform_indices = @transform_1, window_bounds = array<i64: 10000, 1>}, {pipeline_mode = #tpu.pipeline_mode<synchronous>, transform_indices = @transform_2, window_bounds = array<i64: 10000, 128>}, {pipeline_mode = #tpu.pipeline_mode<synchronous>, transform_indices = @transform_3, window_bounds = array<i64: 10000, 1>}]} {
    %get3A = arith.constant 0 : index
    %get3A_0 = arith.constant 0 : index
    %get3A_1 = vector.load %arg2[%get3A, %get3A_0] : memref<10000x1xf32, #tpu.memory_space<vmem>>, vector<10000x1xf32>
    %rsqrt3A = math.rsqrt %get3A_1 : vector<10000x1xf32>
    %get3A_2 = arith.constant 0 : index
    %get3A_3 = arith.constant 0 : index
    %get3A_4 = vector.load %arg1[%get3A_2, %get3A_3] : memref<10000x128xf32, #tpu.memory_space<vmem>>, vector<10000x128xf32>
    %mul3A = vector.broadcast %rsqrt3A : vector<10000x1xf32> to vector<10000x128xf32>
    %mul3A_5 = arith.mulf %get3A_4, %mul3A : vector<10000x128xf32>
    %swap3A = arith.constant 0 : index
    %swap3A_6 = arith.constant 0 : index
    %swap3A_7 = vector.load %arg3[%swap3A, %swap3A_6] : memref<10000x128xf32, #tpu.memory_space<vmem>>, vector<10000x128xf32>
    tpu.vector_store %arg3[%swap3A, %swap3A_6], %mul3A_5 {strides = array<i32>} : memref<10000x128xf32, #tpu.memory_space<vmem>>, vector<10000x128xf32>,
    %swap3A_8 = arith.constant 0 : index
    %swap3A_9 = arith.constant 0 : index
    %swap3A_10 = vector.load %arg4[%swap3A_8, %swap3A_9] : memref<10000x1xf32, #tpu.memory_space<vmem>>, vector<10000x1xf32>
    tpu.vector_store %arg4[%swap3A_8, %swap3A_9], %rsqrt3A {strides = array<i32>} : memref<10000x1xf32, #tpu.memory_space<vmem>>, vector<10000x1xf32>,
    return
  }
  func.func @transform_0(%arg0: i32) -> (i32, i32) {
    %c0_i32 = arith.constant 0 : i32
    %c0_i32_0 = arith.constant 0 : i32
    %c0_i32_1 = arith.constant 0 : i32
    return %c0_i32, %c0_i32_0 : i32, i32
  }
  func.func @transform_1(%arg0: i32) -> (i32, i32) {
    %c0_i32 = arith.constant 0 : i32
    %c0_i32_0 = arith.constant 0 : i32
    %c0_i32_1 = arith.constant 0 : i32
    return %c0_i32, %c0_i32_0 : i32, i32
  }
  func.func @transform_2(%arg0: i32) -> (i32, i32) {
    %c0_i32 = arith.constant 0 : i32
    %c0_i32_0 = arith.constant 0 : i32
    %c0_i32_1 = arith.constant 0 : i32
    return %c0_i32, %c0_i32_0 : i32, i32
  }
  func.func @transform_3(%arg0: i32) -> (i32, i32) {
    %c0_i32 = arith.constant 0 : i32
    %c0_i32_0 = arith.constant 0 : i32
    %c0_i32_1 = arith.constant 0 : i32
    return %c0_i32, %c0_i32_0 : i32, i32
  }
}

module attributes {stable_mosaic.version = 14 : i64} {
  func.func @body(%arg0: i32, %arg1: memref<2x2000x128xf32, #tpu.memory_space<vmem>>, %arg2: memref<2000x128xf32, #tpu.memory_space<vmem>>, %arg3: memref<2000x1xf32, #tpu.memory_space<vmem>>, %arg4: memref<1x128xf32, #tpu.memory_space<vmem>>, %arg5: memref<2000x128xf32, #tpu.memory_space<vmem>>) attributes {dimension_semantics = [#tpu.dimension_semantics<arbitrary>], iteration_bounds = array<i64: 5>, scalar_prefetch = 0 : i64, scratch_operands = 0 : i64, tpu.core_type = #tpu.core_type<tc>, window_params = [{transform_indices = @transform_0, window_bounds = array<i64: 2, 2000, 128>}, {transform_indices = @transform_1, window_bounds = array<i64: 2000, 128>}, {transform_indices = @transform_2, window_bounds = array<i64: 2000, 1>}, {pipeline_mode = #tpu.pipeline_mode<synchronous>, transform_indices = @transform_3, window_bounds = array<i64: 1, 128>}, {transform_indices = @transform_4, window_bounds = array<i64: 2000, 128>}]} {
    %get3A = arith.constant 0 : index
    %get3A_0 = arith.constant 0 : index
    %get3A_1 = arith.constant 0 : index
    %get3A_2 = vector.load %arg1[%get3A, %get3A_0, %get3A_1] : memref<2x2000x128xf32, #tpu.memory_space<vmem>>, vector<1x2000x128xf32>
    %get3A_3 = vector.shape_cast %get3A_2 : vector<1x2000x128xf32> to vector<2000x128xf32>
    %get3A_4 = arith.constant 1 : index
    %get3A_5 = arith.constant 0 : index
    %get3A_6 = arith.constant 0 : index
    %get3A_7 = vector.load %arg1[%get3A_4, %get3A_5, %get3A_6] : memref<2x2000x128xf32, #tpu.memory_space<vmem>>, vector<1x2000x128xf32>
    %get3A_8 = vector.shape_cast %get3A_7 : vector<1x2000x128xf32> to vector<2000x128xf32>
    %add3A = arith.addf %get3A_3, %get3A_8 : vector<2000x128xf32>
    %get3A_9 = arith.constant 0 : index
    %get3A_10 = arith.constant 0 : index
    %get3A_11 = vector.load %arg2[%get3A_9, %get3A_10] : memref<2000x128xf32, #tpu.memory_space<vmem>>, vector<2000x128xf32>
    %add3A_12 = arith.addf %add3A, %get3A_11 : vector<2000x128xf32>
    %get3A_13 = arith.constant 0 : index
    %get3A_14 = arith.constant 0 : index
    %get3A_15 = vector.load %arg3[%get3A_13, %get3A_14] : memref<2000x1xf32, #tpu.memory_space<vmem>>, vector<2000x1xf32>
    %mul3A = vector.broadcast %get3A_15 : vector<2000x1xf32> to vector<2000x128xf32>
    %mul3A_16 = arith.mulf %mul3A, %add3A_12 : vector<2000x128xf32>
    %get3A_17 = arith.constant 0 : index
    %get3A_18 = arith.constant 0 : index
    %get3A_19 = vector.load %arg4[%get3A_17, %get3A_18] : memref<1x128xf32, #tpu.memory_space<vmem>>, vector<1x128xf32>
    %add3A_20 = vector.broadcast %get3A_19 : vector<1x128xf32> to vector<2000x128xf32>
    %add3A_21 = arith.addf %mul3A_16, %add3A_20 : vector<2000x128xf32>
    %swap3A = arith.constant 0 : index
    %swap3A_22 = arith.constant 0 : index
    %swap3A_23 = vector.load %arg5[%swap3A, %swap3A_22] : memref<2000x128xf32, #tpu.memory_space<vmem>>, vector<2000x128xf32>
    tpu.vector_store %arg5[%swap3A, %swap3A_22], %add3A_21 {strides = array<i32>} : memref<2000x128xf32, #tpu.memory_space<vmem>>, vector<2000x128xf32>,
    return
  }
  func.func @transform_0(%arg0: i32) -> (i32, i32, i32) {
    %c0_i32 = arith.constant 0 : i32
    %c0_i32_0 = arith.constant 0 : i32
    %c0_i32_1 = arith.constant 0 : i32
    return %c0_i32, %arg0, %c0_i32_0 : i32, i32, i32
  }
  func.func @transform_1(%arg0: i32) -> (i32, i32) {
    %c0_i32 = arith.constant 0 : i32
    %c0_i32_0 = arith.constant 0 : i32
    return %arg0, %c0_i32 : i32, i32
  }
  func.func @transform_2(%arg0: i32) -> (i32, i32) {
    %c0_i32 = arith.constant 0 : i32
    %c0_i32_0 = arith.constant 0 : i32
    return %arg0, %c0_i32 : i32, i32
  }
  func.func @transform_3(%arg0: i32) -> (i32, i32) {
    %c0_i32 = arith.constant 0 : i32
    %c0_i32_0 = arith.constant 0 : i32
    %c0_i32_1 = arith.constant 0 : i32
    return %c0_i32, %c0_i32_0 : i32, i32
  }
  func.func @transform_4(%arg0: i32) -> (i32, i32) {
    %c0_i32 = arith.constant 0 : i32
    %c0_i32_0 = arith.constant 0 : i32
    return %arg0, %c0_i32 : i32, i32
  }
}

</mosaic_0001>

<sc_bundles>
// kernel: kernel.10.cloned.1.call-start
scs
__scs_entry_jumppad:
0x0: {  	(pc) =	sbr.rel $0x88, $3  }
0x1: {  	(tag) =	ssettag $0x0;
	lr =	simm.s32 $0x1  }
0x2: {  	[smem:$0x3F9D] =	sst lr;
	_ =	strace $0xD0000000  }
0x3: {  	_ = 	snop  }
0x4: {  	_ = 	snop  }
0x5: {  	_ = 	snop  }
0x6: {  	_ = 	snop  }
0x7: {  	_ = 	snop  }
__scs_overlays_trampoline_lowered:
0x8: {  	[smem:$0x3FAC] =	sst s0  }
0x9: {  	[smem:$0x3FAD] =	sst s1  }
0xa: {  	[smem:$0x3FAE] =	sst s2  }
0xb: {  	[smem:$0x3FAF] =	sst s3  }
0xc: {  	[smem:$0x3FB0] =	sst s4  }
0xd: {  	[smem:$0x3FB1] =	sst s5  }
0xe: {  	[smem:$0x3FB2] =	sst s6  }
0xf: {  	[smem:$0x3FB3] =	sst s7  }
0x10: {  	[smem:$0x3FB4] =	sst s8  }
0x11: {  	[smem:$0x3FB5] =	sst s9;
	s0 =	simm.s32 @!p0 $0x0  }
0x12: {  	s1 =	sld [smem:$0x3F9B];
	s0 =	simm.s32 @p0 $0x1  }
0x13: {  	[smem:$0x3FB6] =	sst s0;
	s0 =	simm.s32 @!p1 $0x0  }
0x14: {  	s2 =	sld [smem:$0x3F9A];
	s0 =	simm.s32 @p1 $0x1  }
0x15: {  	[smem:$0x3FB7] =	sst s0;
	s0 =	simm.s32 @!p2 $0x0  }
0x16: {  	s3 =	sld [smem:$0x3FDB];
	s0 =	simm.s32 @p2 $0x1  }
0x17: {  	s4 =	simm.s32 $0x1BF5;
	[smem:$0x3FB9] =	sst s0  }
0x18: {  	s0 =	sld [smem:$0x3F9C];
	_ =	swait.ge [sflag:s4], $0x0  }
0x19: {  	s7 =	sld [smem:$0x3F9D]  }
0x1a: {  	s8 =	sadd.s32 $0xFFFFE003, lr  }
0x1b: {  	s9 =	sadd.s32 $0xFFFFFEF7, lr;
	s5 =	simm.s32 $0xFFFFFFFF;
	p2 =	slt.u32 s8, $0xFFFFF086  }
0x1c: {  	p1 =	slt.u32 s9, $0xF7A;
	s5 =	simm.s32 @!p2 $0x0  }
0x1d: {  	s5 =	simm.s32 @p1 $0x1;
	p0 =	seq.s32 s7, s2  }
0x1e: {  	s7 =	smul.u32 @!p0 $0xF7A, s2;
	p2 =	seq.s32 @!p0 s5, $0x0  }
0x1f: {  	s9 =	smul.u32 $0xF7A, s1;
	s8 =	simm.s32 @!p0 $0x1BF5;
	p2 =	por !p2, p0  }
0x20: {  	[sflag:s8] =	ssyncset.s32 @!p0 $0xFFFFF086;
	s6 =	sadd.s32 @!p0 s3, s7;
	s7 =	simm.s32 @!p0 $0x108  }
0x21: {  	s3 =	sadd.s32 s3, s9;
	s6 =	sadd.s32 @!p0 $0x88, s6;
	s7 =	simm.s32 @p2 $0x1082  }
0x22: {  	[simem:s7], [sflag:s8] =	dma.local @!p0 [hbm:s6], $0xF7A  }
0x23: {  	s9 =	sor.u32 $0xD0000000, s2;
	s6 =	simm.s32 $0x108;
	_ =	swait.ge @!p0 [sflag:s8], $0x0  }
0x24: {  	s3 =	sadd.s32 $0x88, s3;
	s6 =	simm.s32 @!p1 $0x1082;
	[sflag:s4] =	ssyncset.s32 $0xFFFFF086  }
0x25: {  	[simem:s6], [sflag:s4] =	dma.local [hbm:s3], $0xF7A  }
0x26: {  	[smem:$0x3F9D] =	sst s1;
	(tag) =	ssettag s2;
	_ =	strace s9  }
0x27: {  	s1 =	sld [smem:$0x3FAD]  }
0x28: {  	s2 =	sld [smem:$0x3FAE]  }
0x29: {  	s4 =	sld [smem:$0x3FB0]  }
0x2a: {  	p0 =	seq.s32 s5, $0x0;
	s5 =	sld [smem:$0x3FB1]  }
0x2b: {  	s6 =	sld [smem:$0x3FB2]  }
0x2c: {  	s7 =	sld [smem:$0x3FB3]  }
0x2d: {  	s3 =	simm.s32 $0x108;
	s8 =	sld [smem:$0x3FB4]  }
0x2e: {  	s3 =	simm.s32 @!p0 $0x1082;
	s9 =	sld [smem:$0x3FB5]  }
0x2f: {  	lr =	sadd.s32 s0, s3;
	s0 =	sld [smem:$0x3FAC]  }
0x30: {  	s3 =	sld [smem:$0x3FAF]  }
0x31: {  	[smem:$0x3FB8] =	sst s10  }
0x32: {  	s10 =	sld [smem:$0x3FB6];
	_ =	sdelay $0x3  }
0x33: {  	p0 =	seq.s32 s10, $0x1;
	s10 =	sld [smem:$0x3FB8];
	_ =	sdelay $0x3  }
0x34: {  	[smem:$0x3FB8] =	sst s10  }
0x35: {  	s10 =	sld [smem:$0x3FB7];
	_ =	sdelay $0x3  }
0x36: {  	p1 =	seq.s32 s10, $0x1;
	s10 =	sld [smem:$0x3FB8];
	_ =	sdelay $0x3  }
0x37: {  	[smem:$0x3FB8] =	sst s10  }
0x38: {  	s10 =	sld [smem:$0x3FB9]  }
0x39: {  	_ = 	snop;
	(pc) =	sbr.ind lr, $3  }
0x3a: {  	_ = 	snop  }
0x3b: {  	_ = 	snop  }
0x3c: {  	p2 =	seq.s32 s10, $0x1;
	s10 =	sld [smem:$0x3FB8]  }
0x3d: {  	_ =	shalt  }
0x3e: {  	_ =	shalt  }
0x3f: {  	_ =	shalt  }
0x40: {  	_ =	shalt  }
0x41: {  	_ =	shalt  }
0x42: {  	_ =	shalt  }
0x43: {  	_ =	shalt  }
0x44: {  	_ =	shalt  }
0x45: {  	_ =	shalt  }
0x46: {  	_ =	shalt  }
0x47: {  	_ =	shalt  }
0x48: {  	_ =	shalt  }
0x49: {  	_ =	shalt  }
0x4a: {  	_ =	shalt  }
0x4b: {  	_ =	shalt  }
0x4c: {  	_ =	shalt  }
0x4d: {  	_ =	shalt  }
0x4e: {  	_ =	shalt  }
0x4f: {  	_ =	shalt  }
0x50: {  	_ =	shalt  }
0x51: {  	_ =	shalt  }
0x52: {  	_ =	shalt  }
0x53: {  	_ =	shalt  }
0x54: {  	_ =	shalt  }
0x55: {  	_ =	shalt  }
0x56: {  	_ =	shalt  }
0x57: {  	_ =	shalt  }
0x58: {  	_ =	shalt  }
0x59: {  	_ =	shalt  }
0x5a: {  	_ =	shalt  }
0x5b: {  	_ =	shalt  }
0x5c: {  	_ =	shalt  }
0x5d: {  	_ =	shalt  }
0x5e: {  	_ =	shalt  }
0x5f: {  	_ =	shalt  }
0x60: {  	_ =	shalt  }
0x61: {  	_ =	shalt  }
0x62: {  	_ =	shalt  }
0x63: {  	_ =	shalt  }
0x64: {  	_ =	shalt  }
0x65: {  	_ =	shalt  }
0x66: {  	_ =	shalt  }
0x67: {  	_ =	shalt  }
0x68: {  	_ =	shalt  }
0x69: {  	_ =	shalt  }
0x6a: {  	_ =	shalt  }
0x6b: {  	_ =	shalt  }
0x6c: {  	_ =	shalt  }
0x6d: {  	_ =	shalt  }
0x6e: {  	_ =	shalt  }
0x6f: {  	_ =	shalt  }
0x70: {  	_ =	shalt  }
0x71: {  	_ =	shalt  }
0x72: {  	_ =	shalt  }
0x73: {  	_ =	shalt  }
0x74: {  	_ =	shalt  }
0x75: {  	_ =	shalt  }
0x76: {  	_ =	shalt  }
0x77: {  	_ =	shalt  }
0x78: {  	_ =	shalt  }
0x79: {  	_ =	shalt  }
0x7a: {  	_ =	shalt  }
0x7b: {  	_ =	shalt  }
0x7c: {  	_ =	shalt  }
0x7d: {  	_ =	shalt  }
0x7e: {  	_ =	shalt  }
0x7f: {  	_ =	shalt  }
0x80: {  	_ =	shalt  }
0x81: {  	_ =	shalt  }
0x82: {  	_ =	shalt  }
0x83: {  	_ =	shalt  }
0x84: {  	_ =	shalt  }
0x85: {  	_ =	shalt  }
0x86: {  	_ =	shalt  }
0x87: {  	_ =	shalt  }
.Lfunc_end0:
.L_simem_size_0:
called_computation.1_lowered:
.L_overlay_start_0:
0x88: {  	s2 =	sld [smem:$0x3FD9]  }
0x89: {  	s3 =	sld [smem:$0x3FFE];
	_ =	sdelay $0x1  }
0x8a: {  	s1 =	srdreg.scid  }
0x8b: {  	s0 =	sand.u32 $0x1, s1  }
0x8c: {  	s17 =	sshll.u32 s0, $0xA;
	s2 =	sadd.s32 s3, s2  }
0x8d: {  	s2 =	sadd.s32 s2, s17  }
0x8e: {  	[smem:$0x3FC4] =	sst s2  }
0x8f: {  	_ = 	snop  }
0x90: {  	s2 =	sld [smem:$0x3FD0];
	(tm) =	ssettm $0x1  }
0x91: {  	s18 =	sld [smem:$0x3FFB];
	_ =	sdelay $0x3  }
0x92: {  	_ =	strace s18  }
0x93: {  	s3 =	sld [smem:$0x3FFC];
	_ =	sdelay $0x3  }
0x94: {  	_ =	strace s3  }
0x95: {  	s3 =	sld [smem:$0x3FFD];
	_ =	sdelay $0x3  }
0x96: {  	_ =	strace s3  }
0x97: {  	_ =	strace $0x8FFFFFFF  }
0x98: {  	s19 =	sld [smem:$0x3FDB];
	_ =	sdelay $0x1  }
0x99: {  	s4 =	simm.s32 $_scs_section_size  }
0x9a: {  	s5 =	simm.s32 $_size__tile_overlayer_lowered;
	s6 =	simm.s32 $_tile_overlayer_lowered  }
0x9b: {  	s22 =	simm.s32 $0x1BFF;
	s21 =	sshll.u32 s6, $0x1;
	s3 =	sadd.s32 s4, s19  }
0x9c: {  	s7 =	simm.s32 $0x0;
	s20 =	sshll.u32 s5, $0x1;
	s5 =	sadd.s32 s21, s3  }
0x9d: {  	[timem:s7], [sflag:s22] =	dma.local [hbm:s5], s20  }
0x9e: {  	_ =	swait.ge [sflag:s22], s20  }
0x9f: {  	s4 =	ssub.s32 $0x0, s20;
	[sflag:s22] =	ssyncset.done $0x0  }
0xa0: {  	[sflag:s22] =	ssyncadd.s32 s4;
	_ =	sdelay $0x1  }
0xa1: {  	s23 =	simm.s32 $0x1B8B  }
0xa2: {  	_ =	swait.ge [sflag:s23], $0x1  }
0xa3: {  	[sflag:s23] =	ssyncset.done $0x0  }
0xa4: {  	s25 =	simm.s32 $0x1B8E;
	s24 =	sld [smem:$0x3FFE];
	[sflag:s23] =	ssyncadd.s32 $0xFFFFFFFF  }
0xa5: {  	s26 =	simm.s32 $execute0_lowered;
	[smem:$0x3FD2] =	sst s25  }
0xa6: {  	s5 =	sshll.u32 s26, $0x1;
	_ =	strace $0x80000049;
	[dreg:$0x1] =	wrdreg $0xFFFFFFFF  }
0xa7: {  	s28 =	simm.s32 $_size_execute0_lowered;
	s3 =	sadd.s32 s3, s5;
	[dreg:$0x0] =	wrdreg $0x0  }
0xa8: {  	s5 =	sshll.u32 s28, $0x1;
	[dreg:$0x2] =	wrdreg s3  }
0xa9: {  	[dreg:$0x3] =	wrdreg s5  }
0xaa: {  	[dreg:$0x4] =	wrdreg $0xC0  }
0xab: {  	_ =	task [dreg:s7], $0x5FFFF  }
0xac: {  	[dreg:$0x1] =	wrdreg $0xFFFFFFFF  }
0xad: {  	[dreg:$0x0] =	wrdreg $0x60  }
0xae: {  	[dreg:$0x2] =	wrdreg s2  }
0xaf: {  	[dreg:$0x3] =	wrdreg s24  }
0xb0: {  	[dreg:$0x4] =	wrdreg $0x84000  }
0xb1: {  	[dreg:$0x5] =	wrdreg $0x9  }
0xb2: {  	_ =	task.clear_ibuf [dreg:s7], $0x6FFFF;
	_ =	strace $0x90000049  }
0xb3: {  	s29 =	simm.s32 $0x9;
	_ =	strace $0x8000004B  }
0xb4: {  	_ =	swait.ge [sflag:s29], $0x1  }
0xb5: {  	[sflag:s29] =	ssyncadd.s32 $0xFFFFFFFF  }
0xb6: {  	_ =	strace $0x9000004B  }
0xb7: {  	_ =	sfence  }
0xb8: {  	s30 =	sld [smem:$0x0];
	_ =	sdelay $0x2  }
0xb9: {  	s31 =	sshll.u32 s1, $0xD;
	s1 =	sshrl.u32 s1, $0x2  }
0xba: {  	s3 =	sand.u32 $0x4000, s31;
	s1 =	sadd.s32 s1, s30  }
0xbb: {  	s0 =	sor.u32 s3, s0;
	s1 =	sshll.u32 s1, $0x11  }
0xbc: {  	s0 =	sor.u32 s1, s0  }
0xbd: {  	s0 =	sadd.s32 $0x8F2B, s0  }
0xbe: {  	[sflag:s0] =	ssyncadd.remote.s32 $0x1  }
0xbf: {  	_ =	sfence.sel $0xFFFF  }
0xc0: {  	[dreg:$0x0] =	wrdreg $0xFFFFFFFF;
	(pc) =	sbr.abs _section_cstart, $3  }
0xc1: {  	[dreg:$0x1] =	wrdreg $0xFFFFFFFF  }
0xc2: {  	_ =	task.clear_ibuf [dreg:s7], $0x2FFFF;
	_ =	strace $0x9FFFFFFF  }
0xc3: {  	(tm) =	ssettm $0x7FFFFFFF  }
tec
execute0_lowered:
.L_overlay_start_1:
0x0: {  	(tag) =	ssettag $0x1  }
0x1: {  	s1 =	rddreg [dreg:$0x0]  }
0x2: {  	s0 =	rddreg [dreg:$0x1]  }
0x3: {  	s2 =	rddreg [dreg:$0x2];
	s3 =	simm.s32 $0x0;
	s4 =	srdreg.scid  }
0x4: {  	s15 =	stileid.u32;
	s30 =	simm.s32 $0x400;
	s31 =	simm.s32 $0x9  }
0x5: {  	[smem:$0x7FF] =	sst s3;
	s4 =	sand.u32 $0x1, s4;
	s5 =	sadd.s32 $0x1C00, s0  }
0x6: {  	s9 =	sadd.s32 $0x15C00, s0;
	s17 =	smul.u32 $0x50000, s15;
	s8 =	sshll.u32 s15, $0x5  }
0x7: {  	s12 =	smul.u32 $0x14000, s15;
	s16 =	sshll.u32 s15, $0x8;
	s15 =	simm.s32 $0x5  }
0x8: {  	_ =	strace $0x8000004A;
	s6 =	ssub.s32 $0x2, s4;
	s10 =	sshll.u32 s4, $0x9  }
0x9: {  	s11 =	smul.u32 $0x140000, s4;
	s4 =	sshll.u32 s4, $0xC;
	s7 =	sshrl.u32 s6, $0x1  }
0xa: {  	s10 =	sor.u32 s8, s10;
	s8 =	sadd.s32 $0x1C10, s0;
	s21 =	sadd.s32 $0x4000, s12  }
0xb: {  	s25 =	sadd.s32 $0x8000, s12;
	s28 =	sadd.s32 $0xC000, s12;
	s4 =	sor.u32 s16, s4  }
0xc: {  	s16 =	simm.s32 $0x3;
	s7 =	ssub.s32 s6, s7;
	s6 =	sshrl.u32 s17, $0x2  }
0xd: {  	s13 =	sadd.s32 s5, s10;
	s0 =	sadd.s32 s10, s8;
	s19 =	sadd.s32 s11, s12  }
0xe: {  	s23 =	sadd.s32 s11, s21;
	s26 =	sadd.s32 s11, s25;
	s10 =	sadd.s32 s21, s2  }
0xf: {  	s14 =	sadd.s32 s11, s28;
	s29 =	sadd.s32 s25, s2;
	s12 =	sadd.s32 $0x10000, s12  }
0x10: {  	s6 =	sadd.s32 s6, s2;
	[dreg:$0x5] =	wrdreg s0;
	s18 =	sadd.s32 $0x400, s13  }
0x11: {  	[dreg:$0x4] =	wrdreg s13;
	s20 =	sadd.s32 $0x410, s13;
	s0 =	sshrl.u32 s19, $0x3  }
0x12: {  	s22 =	smax.u32 s7, $0x1;
	s14 =	sshrl.u32 s14, $0x3;
	s17 =	sadd.s32 s11, s12  }
0x13: {  	s19 =	sor.u32 $0xA000, s4;
	s11 =	simm.s32 $0x2;
	[dreg:$0x6] =	wrdreg s18  }
0x14: {  	s13 =	simm.s32 $0x200;
	[dreg:$0x7] =	wrdreg s20;
	s0 =	sadd.s32 s9, s0  }
0x15: {  	[dreg:$0x9] =	wrdreg s22;
	s24 =	sadd.s32 $0x4000, s6;
	s7 =	sadd.s32 s9, s14  }
0x16: {  	s18 =	sadd.s32 s28, s2;
	s20 =	sadd.s32 s12, s2;
	s21 =	sshrl.u32 s19, $0x3  }
0x17: {  	s22 =	sor.u32 $0x8000, s4;
	s4 =	sshrl.u32 s4, $0x3;
	[dreg:$0x8] =	wrdreg s0  }
0x18: {  	s28 =	sadd.s32 $0xC000, s6;
	s12 =	simm.s32 $0x4400;
	[dreg:$0xa] =	wrdreg s24  }
0x19: {  	s14 =	simm.s32 $0x280;
	s0 =	sshrl.u32 s23, $0x3;
	[dreg:$0xd] =	wrdreg s7  }
0x1a: {  	s7 =	sshrl.u32 s17, $0x3;
	s19 =	sadd.s32 s21, s5;
	[dreg:$0xf] =	wrdreg s22  }
0x1b: {  	s21 =	sadd.s32 s4, s5;
	s23 =	sshrl.u32 s10, $0x3;
	s24 =	sshrl.u32 s18, $0x3  }
0x1c: {  	s25 =	sshrl.u32 s20, $0x3;
	[dreg:$0x15] =	wrdreg s28;
	s4 =	simm.s32 $0x100  }
0x1d: {  	s10 =	simm.s32 $0x1;
	s17 =	simm.s32 $0x300;
	[dreg:$0x10] =	wrdreg s23  }
0x1e: {  	s18 =	simm.s32 $0x380;
	s20 =	simm.s32 $0x6;
	[dreg:$0x12] =	wrdreg s24  }
0x1f: {  	s22 =	simm.s32 $0x8;
	s0 =	sadd.s32 s9, s0;
	[dreg:$0x13] =	wrdreg s25  }
0x20: {  	s7 =	sadd.s32 s9, s7;
	[dreg:$0xb] =	wrdreg s0;
	s0 =	sshrl.u32 s26, $0x3  }
.Ltmp0:
0x21: {  	[dreg:$0xe] =	wrdreg s7;
	s26 =	sadd.s32 $0x8000, s6;
	(pc) =	sbr.rel .LBB2_1-.Ltmp0, $4  }
0x22: {  	s23 =	simm.s32 $0x4;
	s0 =	sadd.s32 s9, s0;
	[dreg:$0x14] =	wrdreg s26  }
0x23: {  	s24 =	simm.s32 $0x0;
	[dreg:$0xc] =	wrdreg s0;
	s0 =	sshrl.u32 s29, $0x3  }
0x24: {  	s7 =	simm.s32 $0x7;
	s29 =	sadd.s32 $0x10000, s6;
	[dreg:$0x11] =	wrdreg s0  }
0x25: {  	v0 =	vimm.f32 $0.0e+00;
	s9 =	simm.s32 $0x180;
	[dreg:$0x16] =	wrdreg s29;
	s0 =	simm.s32 $0x80  }
.LBB2_6:
0x26: {  	_ =	swait.ge [sflag:s15], $0x4000  }
0x27: {  	[sflag:s15] =	ssyncset.done $0x0  }
0x28: {  	[sflag:s15] =	ssyncadd.s32 $0xFFFFC000  }
0x29: {  	[spmem:s2] =	stream.indirect.scatter.add.f32 [tilespmem:s30], [sflag:$0x7], $0x80, s14, s0, $0xb8;
	[tilespmem:$0x1C400] =	vst v63  }
0x2a: {  	_ =	swait.ge [sflag:s20], $0x4000  }
0x2b: {  	[sflag:s20] =	ssyncset.done $0x0  }
0x2c: {  	[sflag:s20] =	ssyncadd.s32 $0xFFFFC000  }
0x2d: {  	[spmem:s2] =	stream.indirect.scatter.add.f32 [tilespmem:s12], [sflag:$0x8], $0x80, s18, s0, $0xb8;
	[tilespmem:$0x1C400] =	vst v63  }
0x2e: {  	_ =	swait.ge [sflag:s7], $0x4000  }
0x2f: {  	[sflag:s7] =	ssyncset.done $0x0  }
0x30: {  	[sflag:s7] =	ssyncadd.s32 $0xFFFFC000  }
0x31: {  	_ =	swait.ge [sflag:s22], $0x4000  }
0x32: {  	[sflag:s22] =	ssyncset.done $0x0  }
0x33: {  	s25 =	stileid.u32;
	[sflag:s22] =	ssyncadd.s32 $0xFFFFC000  }
0x34: {  	s25 =	sshll.u32 s25, $0x6;
	[bflag:$0x0] =	sbarrier.arrive $0xFFFF  }
0x35: {  	s26 =	sshrl.u32 s6, $0x3;
	s25 =	sor.u32 $0x1C09, s25;
	s28 =	rddreg [dreg:$0x8]  }
0x36: {  	[hbm:s28], [sflag:s25] =	dma.local [spmem:s26], $0x800  }
0x37: {  	_ =	swait.ge [sflag:s31], $0x800  }
0x38: {  	[sflag:s31] =	ssyncset.done $0x0;
	s26 =	rddreg [dreg:$0xb]  }
0x39: {  	s29 =	rddreg [dreg:$0x10];
	[sflag:s31] =	ssyncadd.s32 $0xFFFFF800  }
0x3a: {  	[hbm:s26], [sflag:s25] =	dma.local [spmem:s29], $0x800  }
0x3b: {  	_ =	swait.ge [sflag:s31], $0x800  }
0x3c: {  	[sflag:s31] =	ssyncset.done $0x0;
	s26 =	rddreg [dreg:$0xc]  }
0x3d: {  	s29 =	rddreg [dreg:$0x11];
	[sflag:s31] =	ssyncadd.s32 $0xFFFFF800  }
0x3e: {  	[hbm:s26], [sflag:s25] =	dma.local [spmem:s29], $0x800  }
0x3f: {  	_ =	swait.ge [sflag:s31], $0x800  }
0x40: {  	[sflag:s31] =	ssyncset.done $0x0;
	s26 =	rddreg [dreg:$0xd]  }
0x41: {  	s29 =	rddreg [dreg:$0x12];
	[sflag:s31] =	ssyncadd.s32 $0xFFFFF800  }
0x42: {  	[hbm:s26], [sflag:s25] =	dma.local [spmem:s29], $0x800  }
0x43: {  	_ =	swait.ge [sflag:s31], $0x800  }
0x44: {  	[sflag:s31] =	ssyncset.done $0x0;
	s26 =	rddreg [dreg:$0xe]  }
0x45: {  	s29 =	rddreg [dreg:$0x13];
	[sflag:s31] =	ssyncadd.s32 $0xFFFFF800  }
0x46: {  	[hbm:s26], [sflag:s25] =	dma.local [spmem:s29], $0x800  }
0x47: {  	_ =	swait.ge [sflag:s31], $0x800  }
0x48: {  	s24 =	sadd.s32 $0x1, s24;
	s29 =	rddreg [dreg:$0x9]  }
0x49: {  	p0 =	sne.s32 s24, s29  }
.Ltmp1:
0x4a: {  	_ = 	snop;
	(pc) =	sbr.rel @!p0 .LBB2_7-.Ltmp1, $3  }
0x4b: {  	_ =	sdelay $0x1  }
0x4c: {  	[sflag:s31] =	ssyncset.done $0x0  }
0x4d: {  	[sflag:s31] =	ssyncadd.s32 $0xFFFFF800  }
.LBB2_1:
0x4e: {  	s25 =	simm.s32 $0x0;
	s26 =	simm.s32 $0x200  }
.LBB2_2:
0x4f: {  	p0 =	sne.s32 s26, $0xFE00;
	[tilespmem:s25+$0x470] =	vst v0  }
0x50: {  	[tilespmem:s25+$0x400] =	vst v0  }
0x51: {  	[tilespmem:s25+$0x410] =	vst v0  }
.Ltmp2:
0x52: {  	[tilespmem:s25+$0x420] =	vst v0;
	(pc) =	sbr.rel @p0 .LBB2_2-.Ltmp2, $4  }
0x53: {  	[tilespmem:s25+$0x430] =	vst v0  }
0x54: {  	[tilespmem:s25+$0x440] =	vst v0  }
0x55: {  	[tilespmem:s25+$0x450] =	vst v0  }
0x56: {  	[tilespmem:s25+$0x460] =	vst v0;
	s25 =	sshra.s32 s26, $0x2;
	s26 =	sadd.s32 $0x200, s26  }
0x57: {  	[tilespmem:s25+$0x470] =	vst v0  }
0x58: {  	[tilespmem:s25+$0x400] =	vst v0  }
0x59: {  	[tilespmem:s25+$0x410] =	vst v0  }
0x5a: {  	[tilespmem:s25+$0x420] =	vst v0  }
0x5b: {  	[tilespmem:s25+$0x430] =	vst v0  }
0x5c: {  	[tilespmem:s25+$0x440] =	vst v0  }
0x5d: {  	[tilespmem:s25+$0x450] =	vst v0  }
0x5e: {  	[tilespmem:s25+$0x460] =	vst v0  }
0x5f: {  	[spmem:s6] =	stream.linear.scatter [tilespmem:s30], [sflag:$0x9], $0x4000, $0x38;
	[tilespmem:$0x1C400] =	vst v63  }
0x60: {  	_ =	swait.ge [sflag:s31], $0x4000  }
0x61: {  	[sflag:s31] =	ssyncset.done $0x0  }
0x62: {  	s28 =	rddreg [dreg:$0xa];
	[sflag:s31] =	ssyncadd.s32 $0xFFFFC000  }
0x63: {  	[spmem:s28] =	stream.linear.scatter [tilespmem:s30], [sflag:$0x9], $0x4000, $0x38;
	[tilespmem:$0x1C400] =	vst v63  }
0x64: {  	_ =	swait.ge [sflag:s31], $0x4000  }
0x65: {  	[sflag:s31] =	ssyncset.done $0x0  }
0x66: {  	s29 =	rddreg [dreg:$0x14];
	[sflag:s31] =	ssyncadd.s32 $0xFFFFC000  }
0x67: {  	[spmem:s29] =	stream.linear.scatter [tilespmem:s30], [sflag:$0x9], $0x4000, $0x38;
	[tilespmem:$0x1C400] =	vst v63  }
0x68: {  	_ =	swait.ge [sflag:s31], $0x4000  }
0x69: {  	[sflag:s31] =	ssyncset.done $0x0  }
0x6a: {  	s26 =	rddreg [dreg:$0x15];
	[sflag:s31] =	ssyncadd.s32 $0xFFFFC000  }
0x6b: {  	[spmem:s26] =	stream.linear.scatter [tilespmem:s30], [sflag:$0x9], $0x4000, $0x38;
	[tilespmem:$0x1C400] =	vst v63  }
0x6c: {  	_ =	swait.ge [sflag:s31], $0x4000  }
0x6d: {  	[sflag:s31] =	ssyncset.done $0x0  }
0x6e: {  	s28 =	rddreg [dreg:$0x16];
	[sflag:s31] =	ssyncadd.s32 $0xFFFFC000  }
0x6f: {  	[spmem:s28] =	stream.linear.scatter [tilespmem:s30], [sflag:$0x9], $0x4000, $0x38;
	[tilespmem:$0x1C400] =	vst v63  }
0x70: {  	_ =	swait.ge [sflag:s31], $0x4000  }
0x71: {  	[sflag:s31] =	ssyncset.done $0x0  }
0x72: {  	[sflag:s31] =	ssyncadd.s32 $0xFFFFC000  }
0x73: {  	[bflag:$0x0] =	sbarrier.arrive $0xFFFF  }
0x74: {  	s25 =	simm.s32 $0x0;
	s26 =	rddreg [dreg:$0x4]  }
0x75: {  	[tilespmem:s25], [sflag:$0x1] =	stream.linear.gather [hbm4b:s26+s25], $0x80, $0x38;
	[tilespmem:$0x1C400] =	vst v63  }
0x76: {  	s29 =	rddreg [dreg:$0x5]  }
0x77: {  	[tilespmem:s0], [sflag:$0x1] =	stream.linear.gather [hbm4b:s29+s25], $0x80, $0x38;
	[tilespmem:$0x1C400] =	vst v63  }
0x78: {  	s28 =	rddreg [dreg:$0x6]  }
0x79: {  	[tilespmem:s4], [sflag:$0x2] =	stream.linear.gather [hbm4b:s28+s25], $0x80, $0x38;
	[tilespmem:$0x1C400] =	vst v63  }
0x7a: {  	s29 =	rddreg [dreg:$0x7]  }
0x7b: {  	[tilespmem:s9], [sflag:$0x2] =	stream.linear.gather [hbm4b:s29+s25], $0x80, $0x38;
	[tilespmem:$0x1C400] =	vst v63  }
0x7c: {  	_ =	swait.ge [sflag:s10], $0x80  }
0x7d: {  	[sflag:s10] =	ssyncset.done $0x0  }
0x7e: {  	[sflag:s10] =	ssyncadd.s32 $0xFFFFFF80  }
0x7f: {  	_ =	swait.ge [sflag:s10], $0x80  }
0x80: {  	[sflag:s10] =	ssyncset.done $0x0  }
0x81: {  	[sflag:s10] =	ssyncadd.s32 $0xFFFFFF80  }
0x82: {  	[tilespmem:s30], [sflag:$0x5] =	stream.indirect.gather [hbm4b:s1+s0], $0x80, s25, s0, $0xb8;
	[tilespmem:$0x1C400] =	vst v63  }
0x83: {  	_ =	swait.ge [sflag:s11], $0x80  }
0x84: {  	[sflag:s11] =	ssyncset.done $0x0  }
0x85: {  	[sflag:s11] =	ssyncadd.s32 $0xFFFFFF80  }
0x86: {  	_ =	swait.ge [sflag:s11], $0x80  }
0x87: {  	[sflag:s11] =	ssyncset.done $0x0  }
0x88: {  	s26 =	rddreg [dreg:$0xf];
	[sflag:s11] =	ssyncadd.s32 $0xFFFFFF80  }
0x89: {  	[tilespmem:s12], [sflag:$0x6] =	stream.indirect.gather [hbm4b:s1+s0], $0x80, s4, s0, $0xb8;
	[tilespmem:$0x1C400] =	vst v63  }
.LBB2_4:
0x8a: {  	s28 =	sadd.s32 s25, s21  }
0x8b: {  	s29 =	sadd.s32 $0x800, s28  }
0x8c: {  	[tilespmem:s13], [sflag:$0x3] =	stream.linear.gather [hbm4b:s29+s3], $0x80, $0x38;
	[tilespmem:$0x1C400] =	vst v63  }
0x8d: {  	s29 =	sadd.s32 $0x810, s28  }
0x8e: {  	[tilespmem:s14], [sflag:$0x3] =	stream.linear.gather [hbm4b:s29+s3], $0x80, $0x38;
	[tilespmem:$0x1C400] =	vst v63  }
0x8f: {  	_ =	swait.ge [sflag:s15], $0x4000  }
0x90: {  	[sflag:s15] =	ssyncset.done $0x0  }
0x91: {  	[sflag:s15] =	ssyncadd.s32 $0xFFFFC000  }
0x92: {  	[spmem:s2] =	stream.indirect.scatter.add.f32 [tilespmem:s30], [sflag:$0x7], $0x80, s0, s0, $0xb8;
	[tilespmem:$0x1C400] =	vst v63  }
0x93: {  	_ =	swait.ge [sflag:s7], $0x4000  }
0x94: {  	[sflag:s7] =	ssyncset.done $0x0  }
0x95: {  	[sflag:s7] =	ssyncadd.s32 $0xFFFFC000  }
0x96: {  	_ =	swait.ge [sflag:s16], $0x80  }
0x97: {  	[sflag:s16] =	ssyncset.done $0x0  }
0x98: {  	[sflag:s16] =	ssyncadd.s32 $0xFFFFFF80  }
0x99: {  	_ =	swait.ge [sflag:s16], $0x80  }
0x9a: {  	[sflag:s16] =	ssyncset.done $0x0  }
0x9b: {  	[sflag:s16] =	ssyncadd.s32 $0xFFFFFF80  }
0x9c: {  	[tilespmem:s30], [sflag:$0x5] =	stream.indirect.gather [hbm4b:s1+s0], $0x80, s13, s0, $0xb8;
	[tilespmem:$0x1C400] =	vst v63  }
0x9d: {  	s29 =	sadd.s32 $0xC00, s28  }
0x9e: {  	[tilespmem:s17], [sflag:$0x4] =	stream.linear.gather [hbm4b:s29+s3], $0x80, $0x38;
	[tilespmem:$0x1C400] =	vst v63  }
0x9f: {  	s28 =	sadd.s32 $0xC10, s28  }
0xa0: {  	[tilespmem:s18], [sflag:$0x4] =	stream.linear.gather [hbm4b:s28+s3], $0x80, $0x38;
	[tilespmem:$0x1C400] =	vst v63  }
0xa1: {  	_ =	swait.ge [sflag:s20], $0x4000  }
0xa2: {  	[sflag:s20] =	ssyncset.done $0x0  }
0xa3: {  	[sflag:s20] =	ssyncadd.s32 $0xFFFFC000  }
0xa4: {  	[spmem:s2] =	stream.indirect.scatter.add.f32 [tilespmem:s12], [sflag:$0x8], $0x80, s9, s0, $0xb8;
	[tilespmem:$0x1C400] =	vst v63  }
0xa5: {  	_ =	swait.ge [sflag:s22], $0x4000  }
0xa6: {  	[sflag:s22] =	ssyncset.done $0x0  }
0xa7: {  	[sflag:s22] =	ssyncadd.s32 $0xFFFFC000  }
0xa8: {  	_ =	swait.ge [sflag:s23], $0x80  }
0xa9: {  	p0 =	seq.s32 s25, $0x13000;
	[sflag:s23] =	ssyncset.done $0x0  }
.Ltmp3:
0xaa: {  	[sflag:s23] =	ssyncadd.s32 $0xFFFFFF80;
	(pc) =	sbr.rel @p0 .LBB2_6-.Ltmp3, $4  }
0xab: {  	_ =	swait.ge [sflag:s23], $0x80  }
0xac: {  	[sflag:s23] =	ssyncset.done $0x0  }
0xad: {  	[sflag:s23] =	ssyncadd.s32 $0xFFFFFF80  }
0xae: {  	[tilespmem:s12], [sflag:$0x6] =	stream.indirect.gather [hbm4b:s1+s0], $0x80, s17, s0, $0xb8;
	[tilespmem:$0x1C400] =	vst v63  }
0xaf: {  	s28 =	sshrl.u32 s26, $0x3  }
0xb0: {  	s29 =	sadd.s32 s5, s28  }
0xb1: {  	[tilespmem:s3], [sflag:$0x1] =	stream.linear.gather [hbm4b:s29+s3], $0x80, $0x38;
	[tilespmem:$0x1C400] =	vst v63  }
0xb2: {  	s28 =	sadd.s32 s28, s8  }
0xb3: {  	[tilespmem:s0], [sflag:$0x1] =	stream.linear.gather [hbm4b:s28+s3], $0x80, $0x38;
	[tilespmem:$0x1C400] =	vst v63  }
0xb4: {  	_ =	swait.ge [sflag:s15], $0x4000  }
0xb5: {  	[sflag:s15] =	ssyncset.done $0x0  }
0xb6: {  	[sflag:s15] =	ssyncadd.s32 $0xFFFFC000  }
0xb7: {  	[spmem:s2] =	stream.indirect.scatter.add.f32 [tilespmem:s30], [sflag:$0x7], $0x80, s14, s0, $0xb8;
	[tilespmem:$0x1C400] =	vst v63  }
0xb8: {  	_ =	swait.ge [sflag:s7], $0x4000  }
0xb9: {  	[sflag:s7] =	ssyncset.done $0x0  }
0xba: {  	[sflag:s7] =	ssyncadd.s32 $0xFFFFC000  }
0xbb: {  	_ =	swait.ge [sflag:s10], $0x80  }
0xbc: {  	[sflag:s10] =	ssyncset.done $0x0  }
0xbd: {  	[sflag:s10] =	ssyncadd.s32 $0xFFFFFF80  }
0xbe: {  	_ =	swait.ge [sflag:s10], $0x80  }
0xbf: {  	[sflag:s10] =	ssyncset.done $0x0  }
0xc0: {  	[sflag:s10] =	ssyncadd.s32 $0xFFFFFF80  }
0xc1: {  	[tilespmem:s30], [sflag:$0x5] =	stream.indirect.gather [hbm4b:s1+s0], $0x80, s3, s0, $0xb8;
	[tilespmem:$0x1C400] =	vst v63  }
0xc2: {  	s29 =	sadd.s32 s25, s19  }
0xc3: {  	[tilespmem:s4], [sflag:$0x2] =	stream.linear.gather [hbm4b:s29+s3], $0x80, $0x38;
	[tilespmem:$0x1C400] =	vst v63  }
0xc4: {  	s28 =	sadd.s32 $0x10, s29  }
0xc5: {  	[tilespmem:s9], [sflag:$0x2] =	stream.linear.gather [hbm4b:s28+s3], $0x80, $0x38;
	[tilespmem:$0x1C400] =	vst v63  }
0xc6: {  	_ =	swait.ge [sflag:s20], $0x4000  }
0xc7: {  	[sflag:s20] =	ssyncset.done $0x0  }
0xc8: {  	[sflag:s20] =	ssyncadd.s32 $0xFFFFC000  }
0xc9: {  	[spmem:s2] =	stream.indirect.scatter.add.f32 [tilespmem:s12], [sflag:$0x8], $0x80, s18, s0, $0xb8;
	[tilespmem:$0x1C400] =	vst v63  }
0xca: {  	_ =	swait.ge [sflag:s22], $0x4000  }
0xcb: {  	[sflag:s22] =	ssyncset.done $0x0  }
0xcc: {  	[sflag:s22] =	ssyncadd.s32 $0xFFFFC000  }
0xcd: {  	_ =	swait.ge [sflag:s11], $0x80  }
0xce: {  	[sflag:s11] =	ssyncset.done $0x0  }
.Ltmp4:
0xcf: {  	[sflag:s11] =	ssyncadd.s32 $0xFFFFFF80;
	(pc) =	sbr.rel .LBB2_4-.Ltmp4, $4  }
0xd0: {  	_ =	swait.ge [sflag:s11], $0x80  }
0xd1: {  	[sflag:s11] =	ssyncset.done $0x0  }
0xd2: {  	s26 =	sadd.s32 $0x8000, s26;
	s25 =	sadd.s32 $0x1000, s25;
	[sflag:s11] =	ssyncadd.s32 $0xFFFFFF80  }
0xd3: {  	[tilespmem:s12], [sflag:$0x6] =	stream.indirect.gather [hbm4b:s1+s0], $0x80, s4, s0, $0xb8;
	[tilespmem:$0x1C400] =	vst v63  }
.LBB2_7:
0xd4: {  	_ =	sfence.sel $0x180000  }
0xd5: {  	[bflag:$0x0] =	sbarrier.arrive $0xFFFF  }
0xd6: {  	_ =	strace $0x9000004A  }
0xd7: {  	s0 =	stileid.u32;
	[bflag:$0x2] =	sbarrier.arrive $0xFFFF  }
0xd8: {  	p0 =	sne.s32 s0, $0x0;
	s0 =	rddreg [dreg:$0x3]  }
0xd9: {  	s0 =	sadd.s32 @!p0 $0x100000, s0  }
0xda: {  	[sflag:s0] =	ssyncadd.tile.s32 @!p0 $0x1;
	_ =	shalt  }
.Lfunc_end2:
_tile_overlayer_lowered:
.L_overlay_start_2:
0xdb: {  	(tag) =	ssettag $0x2  }
0xdc: {  	s0 =	rddreg [dreg:$0x0];
	s2 =	stileid.u32  }
0xdd: {  	s1 =	rddreg [dreg:$0x1];
	p0 =	sne.s32 s2, $0x0  }
0xde: {  	s3 =	rddreg [dreg:$0x2];
	[bflag:$0x3] =	sbarrier.arrive $0xFFFF;
	s2 =	simm.s32 @!p0 $0x1C09  }
0xdf: {  	[timem:s3], [sflag:s2] =	dma.local @!p0 [hbm:s0], s1  }
0xe0: {  	s0 =	simm.s32 @!p0 $0x9  }
0xe1: {  	_ =	swait.ge @!p0 [sflag:s0], s1  }
0xe2: {  	s1 =	ssub.s32 @!p0 $0x0, s1;
	[sflag:s0] =	ssyncset.done @!p0 $0x0  }
0xe3: {  	[sflag:s0] =	ssyncadd.s32 @!p0 s1  }
0xe4: {  	[bflag:$0x3] =	sbarrier.arrive $0xFFFF  }
0xe5: {  	_ =	shalt  }

// kernel: kernel.7.cloned.1.call-start
scs
__scs_entry_jumppad:
0x0: {  	(pc) =	sbr.rel $0x88, $3  }
0x1: {  	(tag) =	ssettag $0x0;
	lr =	simm.s32 $0x1  }
0x2: {  	[smem:$0x3F9D] =	sst lr;
	_ =	strace $0xD0000000  }
0x3: {  	_ = 	snop  }
0x4: {  	_ = 	snop  }
0x5: {  	_ = 	snop  }
0x6: {  	_ = 	snop  }
0x7: {  	_ = 	snop  }
__scs_overlays_trampoline_lowered:
0x8: {  	[smem:$0x3FAC] =	sst s0  }
0x9: {  	[smem:$0x3FAD] =	sst s1  }
0xa: {  	[smem:$0x3FAE] =	sst s2  }
0xb: {  	[smem:$0x3FAF] =	sst s3  }
0xc: {  	[smem:$0x3FB0] =	sst s4  }
0xd: {  	[smem:$0x3FB1] =	sst s5  }
0xe: {  	[smem:$0x3FB2] =	sst s6  }
0xf: {  	[smem:$0x3FB3] =	sst s7  }
0x10: {  	[smem:$0x3FB4] =	sst s8  }
0x11: {  	[smem:$0x3FB5] =	sst s9;
	s0 =	simm.s32 @!p0 $0x0  }
0x12: {  	s1 =	sld [smem:$0x3F9B];
	s0 =	simm.s32 @p0 $0x1  }
0x13: {  	[smem:$0x3FB6] =	sst s0;
	s0 =	simm.s32 @!p1 $0x0  }
0x14: {  	s2 =	sld [smem:$0x3F9A];
	s0 =	simm.s32 @p1 $0x1  }
0x15: {  	[smem:$0x3FB7] =	sst s0;
	s0 =	simm.s32 @!p2 $0x0  }
0x16: {  	s3 =	sld [smem:$0x3FDB];
	s0 =	simm.s32 @p2 $0x1  }
0x17: {  	s4 =	simm.s32 $0x1BF5;
	[smem:$0x3FB9] =	sst s0  }
0x18: {  	s0 =	sld [smem:$0x3F9C];
	_ =	swait.ge [sflag:s4], $0x0  }
0x19: {  	s7 =	sld [smem:$0x3F9D]  }
0x1a: {  	s8 =	sadd.s32 $0xFFFFE003, lr  }
0x1b: {  	s9 =	sadd.s32 $0xFFFFFEF7, lr;
	s5 =	simm.s32 $0xFFFFFFFF;
	p2 =	slt.u32 s8, $0xFFFFF086  }
0x1c: {  	p1 =	slt.u32 s9, $0xF7A;
	s5 =	simm.s32 @!p2 $0x0  }
0x1d: {  	s5 =	simm.s32 @p1 $0x1;
	p0 =	seq.s32 s7, s2  }
0x1e: {  	s7 =	smul.u32 @!p0 $0xF7A, s2;
	p2 =	seq.s32 @!p0 s5, $0x0  }
0x1f: {  	s9 =	smul.u32 $0xF7A, s1;
	s8 =	simm.s32 @!p0 $0x1BF5;
	p2 =	por !p2, p0  }
0x20: {  	[sflag:s8] =	ssyncset.s32 @!p0 $0xFFFFF086;
	s6 =	sadd.s32 @!p0 s3, s7;
	s7 =	simm.s32 @!p0 $0x108  }
0x21: {  	s3 =	sadd.s32 s3, s9;
	s6 =	sadd.s32 @!p0 $0x88, s6;
	s7 =	simm.s32 @p2 $0x1082  }
0x22: {  	[simem:s7], [sflag:s8] =	dma.local @!p0 [hbm:s6], $0xF7A  }
0x23: {  	s9 =	sor.u32 $0xD0000000, s2;
	s6 =	simm.s32 $0x108;
	_ =	swait.ge @!p0 [sflag:s8], $0x0  }
0x24: {  	s3 =	sadd.s32 $0x88, s3;
	s6 =	simm.s32 @!p1 $0x1082;
	[sflag:s4] =	ssyncset.s32 $0xFFFFF086  }
0x25: {  	[simem:s6], [sflag:s4] =	dma.local [hbm:s3], $0xF7A  }
0x26: {  	[smem:$0x3F9D] =	sst s1;
	(tag) =	ssettag s2;
	_ =	strace s9  }
0x27: {  	s1 =	sld [smem:$0x3FAD]  }
0x28: {  	s2 =	sld [smem:$0x3FAE]  }
0x29: {  	s4 =	sld [smem:$0x3FB0]  }
0x2a: {  	p0 =	seq.s32 s5, $0x0;
	s5 =	sld [smem:$0x3FB1]  }
0x2b: {  	s6 =	sld [smem:$0x3FB2]  }
0x2c: {  	s7 =	sld [smem:$0x3FB3]  }
0x2d: {  	s3 =	simm.s32 $0x108;
	s8 =	sld [smem:$0x3FB4]  }
0x2e: {  	s3 =	simm.s32 @!p0 $0x1082;
	s9 =	sld [smem:$0x3FB5]  }
0x2f: {  	lr =	sadd.s32 s0, s3;
	s0 =	sld [smem:$0x3FAC]  }
0x30: {  	s3 =	sld [smem:$0x3FAF]  }
0x31: {  	[smem:$0x3FB8] =	sst s10  }
0x32: {  	s10 =	sld [smem:$0x3FB6];
	_ =	sdelay $0x3  }
0x33: {  	p0 =	seq.s32 s10, $0x1;
	s10 =	sld [smem:$0x3FB8];
	_ =	sdelay $0x3  }
0x34: {  	[smem:$0x3FB8] =	sst s10  }
0x35: {  	s10 =	sld [smem:$0x3FB7];
	_ =	sdelay $0x3  }
0x36: {  	p1 =	seq.s32 s10, $0x1;
	s10 =	sld [smem:$0x3FB8];
	_ =	sdelay $0x3  }
0x37: {  	[smem:$0x3FB8] =	sst s10  }
0x38: {  	s10 =	sld [smem:$0x3FB9]  }
0x39: {  	_ = 	snop;
	(pc) =	sbr.ind lr, $3  }
0x3a: {  	_ = 	snop  }
0x3b: {  	_ = 	snop  }
0x3c: {  	p2 =	seq.s32 s10, $0x1;
	s10 =	sld [smem:$0x3FB8]  }
0x3d: {  	_ =	shalt  }
0x3e: {  	_ =	shalt  }
0x3f: {  	_ =	shalt  }
0x40: {  	_ =	shalt  }
0x41: {  	_ =	shalt  }
0x42: {  	_ =	shalt  }
0x43: {  	_ =	shalt  }
0x44: {  	_ =	shalt  }
0x45: {  	_ =	shalt  }
0x46: {  	_ =	shalt  }
0x47: {  	_ =	shalt  }
0x48: {  	_ =	shalt  }
0x49: {  	_ =	shalt  }
0x4a: {  	_ =	shalt  }
0x4b: {  	_ =	shalt  }
0x4c: {  	_ =	shalt  }
0x4d: {  	_ =	shalt  }
0x4e: {  	_ =	shalt  }
0x4f: {  	_ =	shalt  }
0x50: {  	_ =	shalt  }
0x51: {  	_ =	shalt  }
0x52: {  	_ =	shalt  }
0x53: {  	_ =	shalt  }
0x54: {  	_ =	shalt  }
0x55: {  	_ =	shalt  }
0x56: {  	_ =	shalt  }
0x57: {  	_ =	shalt  }
0x58: {  	_ =	shalt  }
0x59: {  	_ =	shalt  }
0x5a: {  	_ =	shalt  }
0x5b: {  	_ =	shalt  }
0x5c: {  	_ =	shalt  }
0x5d: {  	_ =	shalt  }
0x5e: {  	_ =	shalt  }
0x5f: {  	_ =	shalt  }
0x60: {  	_ =	shalt  }
0x61: {  	_ =	shalt  }
0x62: {  	_ =	shalt  }
0x63: {  	_ =	shalt  }
0x64: {  	_ =	shalt  }
0x65: {  	_ =	shalt  }
0x66: {  	_ =	shalt  }
0x67: {  	_ =	shalt  }
0x68: {  	_ =	shalt  }
0x69: {  	_ =	shalt  }
0x6a: {  	_ =	shalt  }
0x6b: {  	_ =	shalt  }
0x6c: {  	_ =	shalt  }
0x6d: {  	_ =	shalt  }
0x6e: {  	_ =	shalt  }
0x6f: {  	_ =	shalt  }
0x70: {  	_ =	shalt  }
0x71: {  	_ =	shalt  }
0x72: {  	_ =	shalt  }
0x73: {  	_ =	shalt  }
0x74: {  	_ =	shalt  }
0x75: {  	_ =	shalt  }
0x76: {  	_ =	shalt  }
0x77: {  	_ =	shalt  }
0x78: {  	_ =	shalt  }
0x79: {  	_ =	shalt  }
0x7a: {  	_ =	shalt  }
0x7b: {  	_ =	shalt  }
0x7c: {  	_ =	shalt  }
0x7d: {  	_ =	shalt  }
0x7e: {  	_ =	shalt  }
0x7f: {  	_ =	shalt  }
0x80: {  	_ =	shalt  }
0x81: {  	_ =	shalt  }
0x82: {  	_ =	shalt  }
0x83: {  	_ =	shalt  }
0x84: {  	_ =	shalt  }
0x85: {  	_ =	shalt  }
0x86: {  	_ =	shalt  }
0x87: {  	_ =	shalt  }
.Lfunc_end0:
.L_simem_size_0:
called_computation_lowered:
.L_overlay_start_0:
0x88: {  	s2 =	sld [smem:$0x3FD9]  }
0x89: {  	s3 =	sld [smem:$0x3FFE];
	_ =	sdelay $0x1  }
0x8a: {  	s1 =	srdreg.scid  }
0x8b: {  	s0 =	sand.u32 $0x1, s1  }
0x8c: {  	s17 =	sshll.u32 s0, $0xA;
	s2 =	sadd.s32 s3, s2  }
0x8d: {  	s2 =	sadd.s32 s2, s17  }
0x8e: {  	[smem:$0x3FC4] =	sst s2  }
0x8f: {  	_ = 	snop  }
0x90: {  	s2 =	sld [smem:$0x3FD0];
	(tm) =	ssettm $0x1  }
0x91: {  	s18 =	sld [smem:$0x3FFB];
	_ =	sdelay $0x3  }
0x92: {  	_ =	strace s18  }
0x93: {  	s3 =	sld [smem:$0x3FFC];
	_ =	sdelay $0x3  }
0x94: {  	_ =	strace s3  }
0x95: {  	s3 =	sld [smem:$0x3FFD];
	_ =	sdelay $0x3  }
0x96: {  	_ =	strace s3  }
0x97: {  	_ =	strace $0x8FFFFFFF  }
0x98: {  	s19 =	sld [smem:$0x3FDB];
	_ =	sdelay $0x1  }
0x99: {  	s4 =	simm.s32 $_scs_section_size  }
0x9a: {  	s5 =	simm.s32 $_size__tile_overlayer_lowered;
	s6 =	simm.s32 $_tile_overlayer_lowered  }
0x9b: {  	s22 =	simm.s32 $0x1BFF;
	s21 =	sshll.u32 s6, $0x1;
	s3 =	sadd.s32 s4, s19  }
0x9c: {  	s7 =	simm.s32 $0x0;
	s20 =	sshll.u32 s5, $0x1;
	s5 =	sadd.s32 s21, s3  }
0x9d: {  	[timem:s7], [sflag:s22] =	dma.local [hbm:s5], s20  }
0x9e: {  	_ =	swait.ge [sflag:s22], s20  }
0x9f: {  	s4 =	ssub.s32 $0x0, s20;
	[sflag:s22] =	ssyncset.done $0x0  }
0xa0: {  	[sflag:s22] =	ssyncadd.s32 s4;
	_ =	sdelay $0x1  }
0xa1: {  	s23 =	simm.s32 $0x1B8B  }
0xa2: {  	_ =	swait.ge [sflag:s23], $0x1  }
0xa3: {  	[sflag:s23] =	ssyncset.done $0x0  }
0xa4: {  	s25 =	simm.s32 $0x1B8E;
	s24 =	sld [smem:$0x3FFE];
	[sflag:s23] =	ssyncadd.s32 $0xFFFFFFFF  }
0xa5: {  	s26 =	simm.s32 $execute0_lowered;
	[smem:$0x3FD2] =	sst s25  }
0xa6: {  	s5 =	sshll.u32 s26, $0x1;
	_ =	strace $0x80000046;
	[dreg:$0x1] =	wrdreg $0xFFFFFFFF  }
0xa7: {  	s28 =	simm.s32 $_size_execute0_lowered;
	s3 =	sadd.s32 s3, s5;
	[dreg:$0x0] =	wrdreg $0x0  }
0xa8: {  	s5 =	sshll.u32 s28, $0x1;
	[dreg:$0x2] =	wrdreg s3  }
0xa9: {  	[dreg:$0x3] =	wrdreg s5  }
0xaa: {  	[dreg:$0x4] =	wrdreg $0xC0  }
0xab: {  	_ =	task [dreg:s7], $0x5FFFF  }
0xac: {  	[dreg:$0x1] =	wrdreg $0xFFFFFFFF  }
0xad: {  	[dreg:$0x0] =	wrdreg $0x60  }
0xae: {  	[dreg:$0x2] =	wrdreg s24  }
0xaf: {  	[dreg:$0x3] =	wrdreg s2  }
0xb0: {  	[dreg:$0x4] =	wrdreg $0x2B000  }
0xb1: {  	[dreg:$0x5] =	wrdreg $0x9  }
0xb2: {  	_ =	task.clear_ibuf [dreg:s7], $0x6FFFF;
	_ =	strace $0x90000046  }
0xb3: {  	s29 =	simm.s32 $0x9;
	_ =	strace $0x80000048  }
0xb4: {  	_ =	swait.ge [sflag:s29], $0x1  }
0xb5: {  	[sflag:s29] =	ssyncadd.s32 $0xFFFFFFFF  }
0xb6: {  	_ =	strace $0x90000048  }
0xb7: {  	_ =	sfence  }
0xb8: {  	s30 =	sld [smem:$0x0];
	_ =	sdelay $0x2  }
0xb9: {  	s31 =	sshll.u32 s1, $0xD;
	s1 =	sshrl.u32 s1, $0x2  }
0xba: {  	s3 =	sand.u32 $0x4000, s31;
	s1 =	sadd.s32 s1, s30  }
0xbb: {  	s0 =	sor.u32 s3, s0;
	s1 =	sshll.u32 s1, $0x11  }
0xbc: {  	s0 =	sor.u32 s1, s0  }
0xbd: {  	s0 =	sadd.s32 $0x8F2B, s0  }
0xbe: {  	[sflag:s0] =	ssyncadd.remote.s32 $0x1  }
0xbf: {  	_ =	sfence.sel $0xFFFF  }
0xc0: {  	[dreg:$0x0] =	wrdreg $0xFFFFFFFF;
	(pc) =	sbr.abs _section_cstart, $3  }
0xc1: {  	[dreg:$0x1] =	wrdreg $0xFFFFFFFF  }
0xc2: {  	_ =	task.clear_ibuf [dreg:s7], $0x2FFFF;
	_ =	strace $0x9FFFFFFF  }
0xc3: {  	(tm) =	ssettm $0x7FFFFFFF  }
tec
execute0_lowered:
.L_overlay_start_1:
0x0: {  	(tag) =	ssettag $0x1  }
0x1: {  	s4 =	rddreg [dreg:$0x0]  }
0x2: {  	s5 =	rddreg [dreg:$0x1]  }
0x3: {  	s1 =	rddreg [dreg:$0x2]  }
0x4: {  	s0 =	rddreg [dreg:$0x3];
	s3 =	simm.s32 $0x0;
	s2 =	srdreg.scid  }
0x5: {  	s12 =	simm.s32 $0x2800;
	s13 =	simm.s32 $0x2;
	s16 =	simm.s32 $0x20  }
0x6: {  	s17 =	simm.s32 $0x10;
	s18 =	simm.s32 $0x0;
	[smem:$0x7FF] =	sst s3  }
0x7: {  	s6 =	sand.u32 $0x1, s2;
	s2 =	stileid.u32;
	_ =	strace $0x80000047  }
0x8: {  	s7 =	ssub.s32 $0x2, s6;
	s8 =	smul.u32 $0xA00, s2;
	s9 =	sshll.u32 s6, $0x9  }
0x9: {  	s11 =	smul.u32 $0x500, s2;
	s28 =	sshll.u32 s6, $0x7;
	s29 =	sshll.u32 s2, $0x5  }
0xa: {  	s14 =	sshll.u32 s2, $0x6;
	s10 =	sshrl.u32 s7, $0x1;
	s9 =	sadd.s32 s9, s4  }
0xb: {  	s14 =	sor.u32 $0x1C03, s14;
	s7 =	ssub.s32 s7, s10;
	s8 =	sshrl.u32 s8, $0x2  }
0xc: {  	s30 =	sor.u32 s28, s11;
	s9 =	sadd.s32 s29, s9;
	s10 =	simm.s32 $0x1  }
0xd: {  	s11 =	simm.s32 $0x80;
	s4 =	sadd.s32 s8, s1;
	s31 =	sshrl.u32 s30, $0x3  }
0xe: {  	s6 =	smax.u32 s7, $0x1;
	s7 =	sadd.s32 $0x1C10, s9;
	s8 =	simm.s32 $0x2880  }
0xf: {  	v0 =	vimm.f32 $0.0e+00;
	v1 =	vimm.f32 $1.000000000e+00;
	s9 =	simm.s32 $0x3;
	s5 =	sadd.s32 s5, s31;
	s15 =	sshrl.u32 s4, $0x3  }
.LBB2_1:
0x10: {  	s19 =	simm.s32 $0x200  }
0x11: {  	s22 =	simm.s32 $0x0;
	s20 =	sadd.s32 $0x400, s7;
	s21 =	smov.u32 s7  }
.LBB2_2:
0x12: {  	[tilespmem:s22], [sflag:$0x1] =	stream.linear.gather [hbm4b:s21+s3], $0x80, $0x38;
	[tilespmem:$0x2D80] =	vst v63  }
0x13: {  	s22 =	smov.u32 s19;
	s21 =	smov.u32 s20;
	p0 =	sne.s32 s19, $0x9E00  }
.Ltmp0:
0x14: {  	s19 =	sadd.s32 $0x200, s19;
	(pc) =	sbr.rel @p0 .LBB2_2-.Ltmp0, $2  }
0x15: {  	_ =	sdelay $0x2  }
0x16: {  	s20 =	sadd.s32 $0x400, s20;
	s22 =	sshra.s32 s22, $0x2  }
0x17: {  	[tilespmem:s22], [sflag:$0x1] =	stream.linear.gather [hbm4b:s21+s3], $0x80, $0x38;
	[tilespmem:$0x2D80] =	vst v63  }
0x18: {  	[tilespmem:$0x2880] =	vst v0  }
0x19: {  	[tilespmem:$0x2890] =	vst v0  }
0x1a: {  	[tilespmem:$0x28A0] =	vst v0  }
0x1b: {  	[tilespmem:$0x28B0] =	vst v0  }
0x1c: {  	[tilespmem:$0x28C0] =	vst v0  }
0x1d: {  	[tilespmem:$0x28D0] =	vst v0  }
0x1e: {  	[tilespmem:$0x28E0] =	vst v0  }
0x1f: {  	[tilespmem:$0x28F0] =	vst v0  }
0x20: {  	[tilespmem:$0x2900] =	vst v0  }
0x21: {  	[tilespmem:$0x2910] =	vst v0  }
0x22: {  	[tilespmem:$0x2920] =	vst v0  }
0x23: {  	[tilespmem:$0x2930] =	vst v0  }
0x24: {  	[tilespmem:$0x2940] =	vst v0  }
0x25: {  	[tilespmem:$0x2950] =	vst v0  }
0x26: {  	[tilespmem:$0x2960] =	vst v0  }
0x27: {  	[tilespmem:$0x2970] =	vst v0  }
0x28: {  	[tilespmem:$0x2980] =	vst v0  }
0x29: {  	[tilespmem:$0x2990] =	vst v0  }
0x2a: {  	[tilespmem:$0x29A0] =	vst v0  }
0x2b: {  	[tilespmem:$0x29B0] =	vst v0  }
0x2c: {  	[tilespmem:$0x29C0] =	vst v0  }
0x2d: {  	[tilespmem:$0x29D0] =	vst v0  }
0x2e: {  	[tilespmem:$0x29E0] =	vst v0  }
0x2f: {  	[tilespmem:$0x29F0] =	vst v0  }
0x30: {  	[tilespmem:$0x2A00] =	vst v0  }
0x31: {  	[tilespmem:$0x2A10] =	vst v0  }
0x32: {  	[tilespmem:$0x2A20] =	vst v0  }
0x33: {  	[tilespmem:$0x2A30] =	vst v0  }
0x34: {  	[tilespmem:$0x2A40] =	vst v0  }
0x35: {  	[tilespmem:$0x2A50] =	vst v0  }
0x36: {  	[tilespmem:$0x2A60] =	vst v0  }
0x37: {  	[tilespmem:$0x2A70] =	vst v0  }
0x38: {  	[tilespmem:$0x2A80] =	vst v0  }
0x39: {  	[tilespmem:$0x2A90] =	vst v0  }
0x3a: {  	[tilespmem:$0x2AA0] =	vst v0  }
0x3b: {  	[tilespmem:$0x2AB0] =	vst v0  }
0x3c: {  	[tilespmem:$0x2AC0] =	vst v0  }
0x3d: {  	[tilespmem:$0x2AD0] =	vst v0  }
0x3e: {  	[tilespmem:$0x2AE0] =	vst v0  }
0x3f: {  	[tilespmem:$0x2AF0] =	vst v0  }
0x40: {  	[spmem:s4] =	stream.linear.scatter [tilespmem:s8], [sflag:$0x3], $0x280, $0x38;
	[tilespmem:$0x2D80] =	vst v63  }
0x41: {  	_ =	swait.ge [sflag:s9], $0x280  }
0x42: {  	[sflag:s9] =	ssyncset.done $0x0  }
0x43: {  	[sflag:s9] =	ssyncadd.s32 $0xFFFFFD80  }
0x44: {  	[tilespmem:$0x2800] =	vst v1  }
0x45: {  	[tilespmem:$0x2810] =	vst v1  }
0x46: {  	[tilespmem:$0x2820] =	vst v1  }
0x47: {  	[tilespmem:$0x2830] =	vst v1  }
0x48: {  	[tilespmem:$0x2840] =	vst v1  }
0x49: {  	[tilespmem:$0x2850] =	vst v1  }
0x4a: {  	[tilespmem:$0x2860] =	vst v1  }
0x4b: {  	[tilespmem:$0x2870] =	vst v1  }
0x4c: {  	_ =	swait.ge [sflag:s10], $0x80  }
0x4d: {  	s19 =	simm.s32 $0x4F;
	[sflag:s10] =	ssyncset.done $0x0  }
.LBB2_4:
0x4e: {  	p0 =	sne.s32 s19, $0x1;
	s19 =	sadd.s32 $0xFFFFFFFF, s19;
	[sflag:s10] =	ssyncadd.s32 $0xFFFFFF80  }
.Ltmp1:
0x4f: {  	(pc) =	sbr.rel @p0 .LBB2_4-.Ltmp1, $3  }
0x50: {  	_ =	sdelay $0x1  }
0x51: {  	_ =	swait.ge [sflag:s10], $0x80  }
0x52: {  	[sflag:s10] =	ssyncset.done $0x0  }
0x53: {  	[sflag:s10] =	ssyncadd.s32 $0xFFFFFF80  }
0x54: {  	s19 =	simm.s32 $0x0;
	[bflag:$0x0] =	sbarrier.arrive $0xFFFF  }
.LBB2_6:
0x55: {  	p0 =	sne.s32 s19, $0x9E00  }
.Ltmp2:
0x56: {  	_ = 	snop;
	(pc) =	sbr.rel @p0 .LBB2_6-.Ltmp2, $3  }
0x57: {  	_ =	sdelay $0x1  }
0x58: {  	s20 =	sshra.s32 s19, $0x2;
	s19 =	sadd.s32 $0x200, s19  }
0x59: {  	[spmem:s1] =	stream.indirect.scatter.add.f32 [tilespmem:s12], [sflag:$0x2], $0x1, s20, s11, $0xb8;
	[tilespmem:$0x2D80] =	vst v63  }
0x5a: {  	_ =	swait.ge [sflag:s13], $0x80  }
0x5b: {  	s19 =	simm.s32 $0x4F;
	[sflag:s13] =	ssyncset.done $0x0  }
.LBB2_8:
0x5c: {  	p0 =	sne.s32 s19, $0x1;
	s19 =	sadd.s32 $0xFFFFFFFF, s19;
	[sflag:s13] =	ssyncadd.s32 $0xFFFFFF80  }
.Ltmp3:
0x5d: {  	(pc) =	sbr.rel @p0 .LBB2_8-.Ltmp3, $3  }
0x5e: {  	_ =	sdelay $0x1  }
0x5f: {  	_ =	swait.ge [sflag:s13], $0x80  }
0x60: {  	[sflag:s13] =	ssyncset.done $0x0  }
0x61: {  	s18 =	sadd.s32 $0x1, s18  }
0x62: {  	[sflag:s13] =	ssyncadd.s32 $0xFFFFFF80;
	p0 =	sne.s32 s18, s6  }
.Ltmp4:
0x63: {  	[bflag:$0x0] =	sbarrier.arrive $0xFFFF;
	(pc) =	sbr.rel @p0 .LBB2_1-.Ltmp4, $4  }
0x64: {  	[hbm:s5@s16], [sflag:s14] =	dma.strided [spmem:s15@s17], $0x50, s10, $0x10   }
0x65: {  	_ =	swait.ge [sflag:s9], $0x50  }
0x66: {  	[sflag:s9] =	ssyncset.done $0x0  }
0x67: {  	[sflag:s9] =	ssyncadd.s32 $0xFFFFFFB0  }
0x68: {  	_ =	sfence.sel $0x180000  }
0x69: {  	[bflag:$0x0] =	sbarrier.arrive $0xFFFF  }
0x6a: {  	p0 =	sne.s32 s2, $0x0;
	_ =	strace $0x90000047  }
0x6b: {  	s0 =	sadd.s32 @!p0 $0x100000, s0;
	[bflag:$0x2] =	sbarrier.arrive $0xFFFF  }
0x6c: {  	[sflag:s0] =	ssyncadd.tile.s32 @!p0 $0x1;
	_ =	shalt  }
.Lfunc_end2:
_tile_overlayer_lowered:
.L_overlay_start_2:
0x6d: {  	(tag) =	ssettag $0x2  }
0x6e: {  	s0 =	rddreg [dreg:$0x0];
	s2 =	stileid.u32  }
0x6f: {  	s1 =	rddreg [dreg:$0x1];
	p0 =	sne.s32 s2, $0x0  }
0x70: {  	s3 =	rddreg [dreg:$0x2];
	[bflag:$0x3] =	sbarrier.arrive $0xFFFF;
	s2 =	simm.s32 @!p0 $0x1C03  }
0x71: {  	[timem:s3], [sflag:s2] =	dma.local @!p0 [hbm:s0], s1  }
0x72: {  	s0 =	simm.s32 @!p0 $0x3  }
0x73: {  	_ =	swait.ge @!p0 [sflag:s0], s1  }
0x74: {  	s1 =	ssub.s32 @!p0 $0x0, s1;
	[sflag:s0] =	ssyncset.done @!p0 $0x0  }
0x75: {  	[sflag:s0] =	ssyncadd.s32 @!p0 s1  }
0x76: {  	[bflag:$0x3] =	sbarrier.arrive $0xFFFF  }
0x77: {  	_ =	shalt  }

</sc_bundles>
